<compile_context>
chip_gen: v7x
topology: tpu7x:2x2x1
jax: 0.10.2.dev20260603
libtpu: 0.0.44.dev20260713+nightly
codegen_flags: <defaults>
</compile_context>

<pallas_src>
import functools

import jax
import jax.numpy as jnp
from jax import lax
from jax.experimental import pallas as pl
from jax.experimental.pallas import tpu as pltpu
from jax.experimental.pallas import tpu_sc as plsc

_B = 128
_E = 128
_W = 5
_NNEG = 5
_NWK = 16
_BPW = _B // _NWK
_RPW = _BPW * (1 + _W + _NNEG)
_NL = 16
_NCH = _E // _NL

_mesh = plsc.VectorSubcoreMesh(
    core_axis_name="c", subcore_axis_name="s", num_cores=1)


def _allsum16(v):
    iota = lax.iota(jnp.int32, _NL)
    for sh in (1, 2, 4, 8):
        v = v + v.at[jnp.bitwise_xor(iota, sh)].get(mode="promise_in_bounds")
    return v


def _softplus16(t):
    u = jnp.exp(-jnp.abs(t))
    z = u / (u + 2.0)
    z2 = z * z
    ln1p = 2.0 * z * (1.0 + z2 * (1.0 / 3.0 + z2 * (0.2 + z2 * (1.0 / 7.0))))
    return jnp.maximum(t, 0.0) + ln1p


@functools.partial(
    pl.kernel,
    mesh=_mesh,
    out_type=jax.ShapeDtypeStruct((_NL,), jnp.float32),
    compiler_params=pltpu.CompilerParams(needs_layout_passes=False),
    scratch_types=[
        pltpu.VMEM((_RPW,), jnp.int32),
        pltpu.VMEM((_RPW, _E), jnp.float32),
        pltpu.VMEM((_BPW * _E,), jnp.float32),
        pltpu.VMEM((_B * _E,), jnp.float32),
        pltpu.VMEM((_NL,), jnp.float32),
        pltpu.SMEM((1,), jnp.int32),
        pltpu.VMEM_SHARED((_B * _E,), jnp.float32),
        pltpu.SemaphoreType.DMA,
        pltpu.SemaphoreType.DMA,
    ],
)
def _sc_loss(idx_hbm, table_hbm, out_hbm,
             idx_v, rows_v, vp_v, vp_all, loss_v, acc_smem, vp_sh, sem,
             sem2):
    wid = lax.axis_index("s")
    acc_smem[0] = 0
    pltpu.sync_copy(idx_hbm.at[pl.ds(wid * _RPW, _RPW)], idx_v)
    _nx = _BPW * _W
    cp_x = pltpu.async_copy(table_hbm.at[idx_v.at[pl.ds(_BPW, _nx)]],
                            rows_v.at[pl.ds(_BPW, _nx)], sem)
    cp_l = pltpu.async_copy(table_hbm.at[idx_v.at[pl.ds(0, _BPW)]],
                            rows_v.at[pl.ds(0, _BPW)], sem2)
    cp_n = pltpu.async_copy(
        table_hbm.at[idx_v.at[pl.ds(_BPW + _nx, _BPW * _NNEG)]],
        rows_v.at[pl.ds(_BPW + _nx, _BPW * _NNEG)], sem2)
    cp_x.wait()

    inv = jnp.float32(1.0 / _W)
    iota = lax.iota(jnp.int32, _NL)
    fzero = jnp.zeros((_NL,), jnp.float32)

    def _pa_c(c, j):
        sl = pl.ds(c * _NL, _NL)
        vp = rows_v[_BPW + _W * j, sl]
        for t in range(1, _W):
            vp = vp + rows_v[_BPW + _W * j + t, sl]
        vp_v[pl.ds(j * _E + c * _NL, _NL)] = vp * inv
        return j

    def _pa_j(j, carry):
        lax.fori_loop(0, _NCH, _pa_c, j)
        return carry

    lax.fori_loop(0, _BPW, _pa_j, 0)
    pltpu.sync_copy(vp_v, vp_sh.at[pl.ds(wid * _BPW * _E, _BPW * _E)])
    cp_l.wait()
    cp_n.wait()
    plsc.subcore_barrier()
    cp_vp = pltpu.async_copy(vp_sh, vp_all, sem)

    base_n = _BPW * (1 + _W)

    def _pb_c(c, acc):
        j, acc2 = acc
        sl = pl.ds(c * _NL, _NL)
        vn = rows_v[base_n + _NNEG * j, sl]
        for t in range(1, _NNEG):
            vn = vn + rows_v[base_n + _NNEG * j + t, sl]
        return (j, acc2 + rows_v[j, sl] * (vn * inv))

    def _pb_j(j, v):
        _, acc2 = lax.fori_loop(0, _NCH, _pb_c, (j, fzero))
        return jnp.where(iota == j + _BPW, _allsum16(acc2), v)

    v2 = lax.fori_loop(0, _BPW, _pb_j, fzero)
    cp_vp.wait()

    def _s1_c(c, acc):
        j, col, acc1 = acc
        flat = (iota + c * _NL) * _E + col
        g = plsc.load_gather(vp_all, [flat])
        return (j, col, acc1 + rows_v[j, pl.ds(c * _NL, _NL)] * g)

    def _s1_j(j, v):
        col = jnp.full((_NL,), wid * _BPW + j, jnp.int32)
        _, _, acc1 = lax.fori_loop(0, _NCH, _s1_c, (j, col, fzero))
        return jnp.where(iota == j, -_allsum16(acc1), v)

    v1 = lax.fori_loop(0, _BPW, _s1_j, fzero)

    sp = _softplus16(v1 + v2)

    psum = _allsum16(sp)
    pi = ((psum * jnp.float32(1048576.0))
          + jnp.float32(0.5)).astype(jnp.int32)
    plsc.subcore_barrier()
    plsc.fetch_and_add(acc_smem.at[0], pi[0], subcore_id=0)
    plsc.subcore_barrier()

    @pl.when(wid == 0)
    def _():
        tot = acc_smem[0]
        loss = tot.astype(jnp.float32) * jnp.float32(1.0 / (1048576.0 * _B))
        loss_v[...] = jnp.full((_NL,), loss, jnp.float32)
        pltpu.sync_copy(loss_v, out_hbm)


def kernel(x, label, negs, table):
    lab = label.reshape(_NWK, _BPW)
    xr = x.reshape(_NWK, _BPW * _W)
    nr = negs.reshape(_NWK, _BPW * _NNEG)
    idx = jnp.concatenate([lab, xr, nr], axis=1).reshape(-1)
    out = _sc_loss(idx, table)
    return out[0]

# --- scband reference (transcript-rebuilt; emitter-appended) ---
"""Pipeline reference for scband-skip-gram-1236950581668 (READ-ONLY COPY).

The authoritative reference and input builder live on the scoring server;
editing this copy changes nothing except your own understanding.
"""

import jax, jax.numpy as jnp
import numpy as np

VOCAB = 50000
EMBED = 128
BATCH = 128
WINDOW = 5
NUM_NEG = 5


def setup_inputs(seed: int = 0) -> dict:
    key = jax.random.key(seed)
    k1, k2, k3, k4 = jax.random.split(key, 4)
    x = jax.random.randint(k1, (BATCH, WINDOW), 0, VOCAB, dtype=jnp.int32)
    label = jax.random.randint(k2, (BATCH,), 0, VOCAB, dtype=jnp.int32)
    # neg_sample(5, label) is drawn randomly inside the torch forward; we
    # materialize it here as a deterministic input for reproducibility.
    negs = jax.random.randint(k3, (BATCH, NUM_NEG), 0, VOCAB, dtype=jnp.int32)
    # nn.Embedding weight initialized uniform_(-1, 1)
    table = jax.random.uniform(k4, (VOCAB, EMBED), dtype=jnp.float32, minval=-1.0, maxval=1.0)
    return {"x": x, "label": label, "negs": negs, "table": table}


def reference(x, label, negs, table):
    # u_embeds = embedding(label).view(B, -1)  -> [B, 128]
    u_embeds = jnp.take(table, label, axis=0).reshape(label.shape[0], -1)
    # v_embeds_pos = embedding(x).mean(dim=1)  -> [B, 128]
    v_embeds_pos = jnp.take(table, x, axis=0).mean(axis=1)
    # v_embeds_neg = embedding(negs).mean(dim=1) -> [B, 128]
    v_embeds_neg = jnp.take(table, negs, axis=0).mean(axis=1)
    # Faithful to the original (no transpose on the positive branch; this
    # only works because B == embed_size == 128).
    loss1 = jnp.diag(jnp.matmul(u_embeds, v_embeds_pos))
    loss2 = jnp.diag(jnp.matmul(u_embeds, v_embeds_neg.T))
    loss1 = -jnp.log(1.0 / (1.0 + jnp.exp(-loss1)))
    loss2 = -jnp.log(1.0 / (1.0 + jnp.exp(loss2)))
    loss = loss1.mean() + loss2.mean()
    return loss

if __name__ == "__main__":
    import jax
    _d = setup_inputs()
    print(jax.jit(kernel)(*tuple(_d.values())))

</pallas_src>

<mosaic_0001>
#map = affine_map<(d0, d1) -> (0)>
#map1 = affine_map<(d0, d1) -> (0, 0)>
module attributes {stable_mosaic.version = 14 : i64} {
  func.func @_sc_loss(%arg0: i32, %arg1: i32, %arg2: memref<1408xi32, #tpu.memory_space<hbm>>, %arg3: memref<50000x128xf32, #tpu.memory_space<hbm>>, %arg4: memref<16xf32, #tpu.memory_space<hbm>>, %arg5: memref<88xi32, #tpu.memory_space<vmem>>, %arg6: memref<88x128xf32, #tpu.memory_space<vmem>>, %arg7: memref<1024xf32, #tpu.memory_space<vmem>>, %arg8: memref<16384xf32, #tpu.memory_space<vmem>>, %arg9: memref<16xf32, #tpu.memory_space<vmem>>, %arg10: memref<1xi32, #tpu.memory_space<smem>>, %arg11: memref<16384xf32, #tpu.memory_space<vmem_shared>>, %arg12: memref<!tpu.dma_semaphore, #tpu.memory_space<semaphore_mem>>, %arg13: memref<!tpu.dma_semaphore, #tpu.memory_space<semaphore_mem>>) attributes {dimension_semantics = [#tpu.dimension_semantics<core_parallel>, #tpu.dimension_semantics<subcore_parallel>], iteration_bounds = array<i64: 1, 16>, scalar_prefetch = 0 : i64, scratch_operands = 9 : i64, tpu.core_type = #tpu.core_type<sc_vector_subcore>, window_params = [{transform_indices = #map}, {transform_indices = #map1}, {transform_indices = #map}]} {
    %swap3A = arith.constant 0 : i32
    %swap3A_0 = arith.constant 0 : i32
    %swap3A_1 = arith.index_cast %swap3A_0 : i32 to index
    %swap3A_2 = memref.load %arg10[%swap3A_1] : memref<1xi32, #tpu.memory_space<smem>>
    memref.store %swap3A, %arg10[%swap3A_1] : memref<1xi32, #tpu.memory_space<smem>>
    %mul3A = arith.constant 88 : i32
    %mul3A_3 = arith.muli %arg1, %mul3A : i32
    "tpu.region"() ({
      %run_scoped3A = tpu.sem_alloc : memref<!tpu.dma_semaphore, #tpu.memory_space<semaphore_mem>>
      %dma_start3A_167 = tpu.memref_slice %arg2[%mul3A_3] : memref<1408xi32, #tpu.memory_space<hbm>> -> memref<88xi32, #tpu.memory_space<hbm>>
      %dma_start3A_168 = tpu.memref_slice %arg2[%mul3A_3] : memref<1408xi32, #tpu.memory_space<hbm>> -> memref<88xi32, #tpu.memory_space<hbm>>
      tpu.enqueue_dma source(%dma_start3A_168 : memref<88xi32, #tpu.memory_space<hbm>>) target(%arg5 : memref<88xi32, #tpu.memory_space<vmem>>) target_semaphore(%run_scoped3A : memref<!tpu.dma_semaphore, #tpu.memory_space<semaphore_mem>>)
      %dma_wait3A_169 = tpu.memref_slice %arg2[%mul3A_3] : memref<1408xi32, #tpu.memory_space<hbm>> -> memref<88xi32, #tpu.memory_space<hbm>>
      %dma_wait3A_170 = tpu.memref_slice %arg2[%mul3A_3] : memref<1408xi32, #tpu.memory_space<hbm>> -> memref<88xi32, #tpu.memory_space<hbm>>
      tpu.wait_dma2 semaphore(%run_scoped3A : memref<!tpu.dma_semaphore, #tpu.memory_space<semaphore_mem>>) src(%dma_wait3A_170 : memref<88xi32, #tpu.memory_space<hbm>>) dst(%arg5 : memref<88xi32, #tpu.memory_space<vmem>>)
      tpu.yield
    }) : () -> ()
    %dma_start3A = arith.constant 8 : i32
    %dma_start3A_4 = arith.constant 0 : i32
    %dma_start3A_5 = tpu.memref_slice %arg6[%dma_start3A, %dma_start3A_4] : memref<88x128xf32, #tpu.memory_space<vmem>> -> memref<40x128xf32, #tpu.memory_space<vmem>>
    %dma_start3A_6 = arith.constant 8 : i32
    %dma_start3A_7 = tpu.memref_slice %arg5[%dma_start3A_6] : memref<88xi32, #tpu.memory_space<vmem>> -> memref<40xi32, #tpu.memory_space<vmem>>
    %dma_start3A_8 = arith.constant 0 : i32
    %dma_start3A_9 = arith.constant 0 : i32
    %dma_start3A_10 = tpu.memref_slice %arg3[%dma_start3A_8, %dma_start3A_9] : memref<50000x128xf32, #tpu.memory_space<hbm>> -> memref<50000x128xf32, #tpu.memory_space<hbm>>
    tpu.enqueue_indirect_dma source(%dma_start3A_10 : memref<50000x128xf32, #tpu.memory_space<hbm>>) target(%dma_start3A_5 : memref<40x128xf32, #tpu.memory_space<vmem>>) offsets(%dma_start3A_7 : memref<40xi32, #tpu.memory_space<vmem>>) semaphore(%arg12 : memref<!tpu.dma_semaphore, #tpu.memory_space<semaphore_mem>>)
    %dma_start3A_11 = arith.constant 0 : i32
    %dma_start3A_12 = arith.constant 0 : i32
    %dma_start3A_13 = tpu.memref_slice %arg6[%dma_start3A_11, %dma_start3A_12] : memref<88x128xf32, #tpu.memory_space<vmem>> -> memref<8x128xf32, #tpu.memory_space<vmem>>
    %dma_start3A_14 = arith.constant 0 : i32
    %dma_start3A_15 = tpu.memref_slice %arg5[%dma_start3A_14] : memref<88xi32, #tpu.memory_space<vmem>> -> memref<8xi32, #tpu.memory_space<vmem>>
    %dma_start3A_16 = arith.constant 0 : i32
    %dma_start3A_17 = arith.constant 0 : i32
    %dma_start3A_18 = tpu.memref_slice %arg3[%dma_start3A_16, %dma_start3A_17] : memref<50000x128xf32, #tpu.memory_space<hbm>> -> memref<50000x128xf32, #tpu.memory_space<hbm>>
    tpu.enqueue_indirect_dma source(%dma_start3A_18 : memref<50000x128xf32, #tpu.memory_space<hbm>>) target(%dma_start3A_13 : memref<8x128xf32, #tpu.memory_space<vmem>>) offsets(%dma_start3A_15 : memref<8xi32, #tpu.memory_space<vmem>>) semaphore(%arg13 : memref<!tpu.dma_semaphore, #tpu.memory_space<semaphore_mem>>)
    %dma_start3A_19 = arith.constant 48 : i32
    %dma_start3A_20 = arith.constant 0 : i32
    %dma_start3A_21 = tpu.memref_slice %arg6[%dma_start3A_19, %dma_start3A_20] : memref<88x128xf32, #tpu.memory_space<vmem>> -> memref<40x128xf32, #tpu.memory_space<vmem>>
    %dma_start3A_22 = arith.constant 48 : i32
    %dma_start3A_23 = tpu.memref_slice %arg5[%dma_start3A_22] : memref<88xi32, #tpu.memory_space<vmem>> -> memref<40xi32, #tpu.memory_space<vmem>>
    %dma_start3A_24 = arith.constant 0 : i32
    %dma_start3A_25 = arith.constant 0 : i32
    %dma_start3A_26 = tpu.memref_slice %arg3[%dma_start3A_24, %dma_start3A_25] : memref<50000x128xf32, #tpu.memory_space<hbm>> -> memref<50000x128xf32, #tpu.memory_space<hbm>>
    tpu.enqueue_indirect_dma source(%dma_start3A_26 : memref<50000x128xf32, #tpu.memory_space<hbm>>) target(%dma_start3A_21 : memref<40x128xf32, #tpu.memory_space<vmem>>) offsets(%dma_start3A_23 : memref<40xi32, #tpu.memory_space<vmem>>) semaphore(%arg13 : memref<!tpu.dma_semaphore, #tpu.memory_space<semaphore_mem>>)
    %dma_wait3A = arith.constant 8 : i32
    %dma_wait3A_27 = arith.constant 0 : i32
    %dma_wait3A_28 = tpu.memref_slice %arg6[%dma_wait3A, %dma_wait3A_27] : memref<88x128xf32, #tpu.memory_space<vmem>> -> memref<40x128xf32, #tpu.memory_space<vmem>>
    %dma_wait3A_29 = arith.constant 8 : i32
    %dma_wait3A_30 = tpu.memref_slice %arg5[%dma_wait3A_29] : memref<88xi32, #tpu.memory_space<vmem>> -> memref<40xi32, #tpu.memory_space<vmem>>
    %dma_wait3A_31 = arith.constant 0 : i32
    %dma_wait3A_32 = arith.constant 0 : i32
    %dma_wait3A_33 = tpu.memref_slice %arg3[%dma_wait3A_31, %dma_wait3A_32] : memref<50000x128xf32, #tpu.memory_space<hbm>> -> memref<50000x128xf32, #tpu.memory_space<hbm>>
    tpu.wait_indirect_dma semaphore(%arg12 : memref<!tpu.dma_semaphore, #tpu.memory_space<semaphore_mem>>) src(%dma_wait3A_33 : memref<50000x128xf32, #tpu.memory_space<hbm>>) dst(%dma_wait3A_28 : memref<40x128xf32, #tpu.memory_space<vmem>>)
    %iota3A = tpu.iota {dimensions = array<i32: 0>} : vector<16xi32>
    %broadcast_in_dim3A = arith.constant 0.000000e+00 : f32
    %broadcast_in_dim3A_34 = vector.broadcast %broadcast_in_dim3A : f32 to vector<16xf32>
    %scan3A = arith.constant 0 : i32
    %scan3A_35 = arith.constant 2.000000e-01 : f32
    %scan3A_36 = arith.constant 0 : i32
    %scan3A_37 = arith.constant 8 : i32
    %scan3A_38 = arith.addi %scan3A_36, %scan3A_37 : i32
    %scan3A_39 = arith.constant 1 : i32
    scf.for %scan3A_167 = %scan3A_36 to %scan3A_38 step %scan3A_39  : i32 {
      %scan3A_168 = arith.constant 0 : i32
      %scan3A_169 = arith.constant 8 : i32
      %scan3A_170 = arith.addi %scan3A_168, %scan3A_169 : i32
      %scan3A_171 = arith.constant 1 : i32
      scf.for %scan3A_173 = %scan3A_168 to %scan3A_170 step %scan3A_171  : i32 {
        %mul3A_174 = arith.constant 16 : i32
        %mul3A_175 = arith.muli %scan3A_173, %mul3A_174 : i32
        %mul3A_176 = arith.constant 5 : i32
        %mul3A_177 = arith.muli %mul3A_176, %scan3A_167 : i32
        %add3A_178 = arith.constant 8 : i32
        %add3A_179 = arith.addi %add3A_178, %mul3A_177 : i32
        %get3A = arith.index_cast %add3A_179 : i32 to index
        %get3A_180 = arith.index_cast %mul3A_175 : i32 to index
        %get3A_181 = tpu.vector_load %arg6[%get3A, %get3A_180] {strides = array<i32>} : memref<88x128xf32, #tpu.memory_space<vmem>>, vector<16xf32>,
        %mul3A_182 = arith.constant 5 : i32
        %mul3A_183 = arith.muli %mul3A_182, %scan3A_167 : i32
        %add3A_184 = arith.constant 8 : i32
        %add3A_185 = arith.addi %add3A_184, %mul3A_183 : i32
        %add3A_186 = arith.constant 1 : i32
        %add3A_187 = arith.addi %add3A_185, %add3A_186 : i32
        %get3A_188 = arith.index_cast %add3A_187 : i32 to index
        %get3A_189 = arith.index_cast %mul3A_175 : i32 to index
        %get3A_190 = tpu.vector_load %arg6[%get3A_188, %get3A_189] {strides = array<i32>} : memref<88x128xf32, #tpu.memory_space<vmem>>, vector<16xf32>,
        %add3A_191 = arith.addf %get3A_181, %get3A_190 : vector<16xf32>
        %mul3A_192 = arith.constant 5 : i32
        %mul3A_193 = arith.muli %mul3A_192, %scan3A_167 : i32
        %add3A_194 = arith.constant 8 : i32
        %add3A_195 = arith.addi %add3A_194, %mul3A_193 : i32
        %add3A_196 = arith.constant 2 : i32
        %add3A_197 = arith.addi %add3A_195, %add3A_196 : i32
        %get3A_198 = arith.index_cast %add3A_197 : i32 to index
        %get3A_199 = arith.index_cast %mul3A_175 : i32 to index
        %get3A_200 = tpu.vector_load %arg6[%get3A_198, %get3A_199] {strides = array<i32>} : memref<88x128xf32, #tpu.memory_space<vmem>>, vector<16xf32>,
        %add3A_201 = arith.addf %add3A_191, %get3A_200 : vector<16xf32>
        %mul3A_202 = arith.constant 5 : i32
        %mul3A_203 = arith.muli %mul3A_202, %scan3A_167 : i32
        %add3A_204 = arith.constant 8 : i32
        %add3A_205 = arith.addi %add3A_204, %mul3A_203 : i32
        %add3A_206 = arith.constant 3 : i32
        %add3A_207 = arith.addi %add3A_205, %add3A_206 : i32
        %get3A_208 = arith.index_cast %add3A_207 : i32 to index
        %get3A_209 = arith.index_cast %mul3A_175 : i32 to index
        %get3A_210 = tpu.vector_load %arg6[%get3A_208, %get3A_209] {strides = array<i32>} : memref<88x128xf32, #tpu.memory_space<vmem>>, vector<16xf32>,
        %add3A_211 = arith.addf %add3A_201, %get3A_210 : vector<16xf32>
        %mul3A_212 = arith.constant 5 : i32
        %mul3A_213 = arith.muli %mul3A_212, %scan3A_167 : i32
        %add3A_214 = arith.constant 8 : i32
        %add3A_215 = arith.addi %add3A_214, %mul3A_213 : i32
        %add3A_216 = arith.constant 4 : i32
        %add3A_217 = arith.addi %add3A_215, %add3A_216 : i32
        %get3A_218 = arith.index_cast %add3A_217 : i32 to index
        %get3A_219 = arith.index_cast %mul3A_175 : i32 to index
        %get3A_220 = tpu.vector_load %arg6[%get3A_218, %get3A_219] {strides = array<i32>} : memref<88x128xf32, #tpu.memory_space<vmem>>, vector<16xf32>,
        %add3A_221 = arith.addf %add3A_211, %get3A_220 : vector<16xf32>
        %mul3A_222 = vector.broadcast %scan3A_35 : f32 to vector<16xf32>
        %mul3A_223 = arith.mulf %add3A_221, %mul3A_222 : vector<16xf32>
        %mul3A_224 = arith.constant 128 : i32
        %mul3A_225 = arith.muli %scan3A_167, %mul3A_224 : i32
        %mul3A_226 = arith.constant 16 : i32
        %mul3A_227 = arith.muli %scan3A_173, %mul3A_226 : i32
        %add3A_228 = arith.addi %mul3A_225, %mul3A_227 : i32
        %swap3A_229 = arith.index_cast %add3A_228 : i32 to index
        %swap3A_230 = tpu.vector_load %arg7[%swap3A_229] {strides = array<i32>} : memref<1024xf32, #tpu.memory_space<vmem>>, vector<16xf32>,
        tpu.vector_store %arg7[%swap3A_229], %mul3A_223 {strides = array<i32>} : memref<1024xf32, #tpu.memory_space<vmem>>, vector<16xf32>,
      }
      %scan3A_172 = arith.constant 8 : i32
    }
    %scan3A_40 = arith.constant 8 : i32
    %mul3A_41 = arith.constant 8 : i32
    %mul3A_42 = arith.muli %arg1, %mul3A_41 : i32
    %mul3A_43 = arith.constant 128 : i32
    %mul3A_44 = arith.muli %mul3A_42, %mul3A_43 : i32
    "tpu.region"() ({
      %run_scoped3A = tpu.sem_alloc : memref<!tpu.dma_semaphore, #tpu.memory_space<semaphore_mem>>
      %dma_start3A_167 = tpu.memref_slice %arg11[%mul3A_44] : memref<16384xf32, #tpu.memory_space<vmem_shared>> -> memref<1024xf32, #tpu.memory_space<vmem_shared>>
      %dma_start3A_168 = tpu.memref_slice %arg11[%mul3A_44] : memref<16384xf32, #tpu.memory_space<vmem_shared>> -> memref<1024xf32, #tpu.memory_space<vmem_shared>>
      tpu.enqueue_dma source(%arg7 : memref<1024xf32, #tpu.memory_space<vmem>>) target(%dma_start3A_168 : memref<1024xf32, #tpu.memory_space<vmem_shared>>) target_semaphore(%run_scoped3A : memref<!tpu.dma_semaphore, #tpu.memory_space<semaphore_mem>>)
      %dma_wait3A_169 = tpu.memref_slice %arg11[%mul3A_44] : memref<16384xf32, #tpu.memory_space<vmem_shared>> -> memref<1024xf32, #tpu.memory_space<vmem_shared>>
      %dma_wait3A_170 = tpu.memref_slice %arg11[%mul3A_44] : memref<16384xf32, #tpu.memory_space<vmem_shared>> -> memref<1024xf32, #tpu.memory_space<vmem_shared>>
      tpu.wait_dma2 semaphore(%run_scoped3A : memref<!tpu.dma_semaphore, #tpu.memory_space<semaphore_mem>>) src(%arg7 : memref<1024xf32, #tpu.memory_space<vmem>>) dst(%dma_wait3A_170 : memref<1024xf32, #tpu.memory_space<vmem_shared>>)
      tpu.yield
    }) : () -> ()
    %dma_wait3A_45 = arith.constant 0 : i32
    %dma_wait3A_46 = arith.constant 0 : i32
    %dma_wait3A_47 = tpu.memref_slice %arg6[%dma_wait3A_45, %dma_wait3A_46] : memref<88x128xf32, #tpu.memory_space<vmem>> -> memref<8x128xf32, #tpu.memory_space<vmem>>
    %dma_wait3A_48 = arith.constant 0 : i32
    %dma_wait3A_49 = tpu.memref_slice %arg5[%dma_wait3A_48] : memref<88xi32, #tpu.memory_space<vmem>> -> memref<8xi32, #tpu.memory_space<vmem>>
    %dma_wait3A_50 = arith.constant 0 : i32
    %dma_wait3A_51 = arith.constant 0 : i32
    %dma_wait3A_52 = tpu.memref_slice %arg3[%dma_wait3A_50, %dma_wait3A_51] : memref<50000x128xf32, #tpu.memory_space<hbm>> -> memref<50000x128xf32, #tpu.memory_space<hbm>>
    tpu.wait_indirect_dma semaphore(%arg13 : memref<!tpu.dma_semaphore, #tpu.memory_space<semaphore_mem>>) src(%dma_wait3A_52 : memref<50000x128xf32, #tpu.memory_space<hbm>>) dst(%dma_wait3A_47 : memref<8x128xf32, #tpu.memory_space<vmem>>)
    %dma_wait3A_53 = arith.constant 48 : i32
    %dma_wait3A_54 = arith.constant 0 : i32
    %dma_wait3A_55 = tpu.memref_slice %arg6[%dma_wait3A_53, %dma_wait3A_54] : memref<88x128xf32, #tpu.memory_space<vmem>> -> memref<40x128xf32, #tpu.memory_space<vmem>>
    %dma_wait3A_56 = arith.constant 48 : i32
    %dma_wait3A_57 = tpu.memref_slice %arg5[%dma_wait3A_56] : memref<88xi32, #tpu.memory_space<vmem>> -> memref<40xi32, #tpu.memory_space<vmem>>
    %dma_wait3A_58 = arith.constant 0 : i32
    %dma_wait3A_59 = arith.constant 0 : i32
    %dma_wait3A_60 = tpu.memref_slice %arg3[%dma_wait3A_58, %dma_wait3A_59] : memref<50000x128xf32, #tpu.memory_space<hbm>> -> memref<50000x128xf32, #tpu.memory_space<hbm>>
    tpu.wait_indirect_dma semaphore(%arg13 : memref<!tpu.dma_semaphore, #tpu.memory_space<semaphore_mem>>) src(%dma_wait3A_60 : memref<50000x128xf32, #tpu.memory_space<hbm>>) dst(%dma_wait3A_55 : memref<40x128xf32, #tpu.memory_space<vmem>>)
    %barrier3A = arith.constant 0 : index
    tpu.barrier barrier_id(%barrier3A)
    tpu.enqueue_dma source(%arg11 : memref<16384xf32, #tpu.memory_space<vmem_shared>>) target(%arg8 : memref<16384xf32, #tpu.memory_space<vmem>>) target_semaphore(%arg12 : memref<!tpu.dma_semaphore, #tpu.memory_space<semaphore_mem>>)
    %scan3A_61 = arith.constant 2.000000e-01 : f32
    %scan3A_62 = arith.constant 0 : i32
    %scan3A_63 = arith.constant 8 : i32
    %scan3A_64 = arith.addi %scan3A_62, %scan3A_63 : i32
    %scan3A_65 = arith.constant 1 : i32
    %scan3A_66 = scf.for %scan3A_167 = %scan3A_62 to %scan3A_64 step %scan3A_65 iter_args(%scan3A_168 = %broadcast_in_dim3A_34) -> (vector<16xf32>)  : i32 {
      %scan3A_169 = arith.constant 0 : i32
      %scan3A_170 = arith.constant 8 : i32
      %scan3A_171 = arith.addi %scan3A_169, %scan3A_170 : i32
      %scan3A_172 = arith.constant 1 : i32
      %scan3A_173 = scf.for %scan3A_237 = %scan3A_169 to %scan3A_171 step %scan3A_172 iter_args(%scan3A_238 = %broadcast_in_dim3A_34) -> (vector<16xf32>)  : i32 {
        %mul3A_239 = arith.constant 16 : i32
        %mul3A_240 = arith.muli %scan3A_237, %mul3A_239 : i32
        %mul3A_241 = arith.constant 5 : i32
        %mul3A_242 = arith.muli %mul3A_241, %scan3A_167 : i32
        %add3A_243 = arith.constant 48 : i32
        %add3A_244 = arith.addi %add3A_243, %mul3A_242 : i32
        %get3A = arith.index_cast %add3A_244 : i32 to index
        %get3A_245 = arith.index_cast %mul3A_240 : i32 to index
        %get3A_246 = tpu.vector_load %arg6[%get3A, %get3A_245] {strides = array<i32>} : memref<88x128xf32, #tpu.memory_space<vmem>>, vector<16xf32>,
        %mul3A_247 = arith.constant 5 : i32
        %mul3A_248 = arith.muli %mul3A_247, %scan3A_167 : i32
        %add3A_249 = arith.constant 48 : i32
        %add3A_250 = arith.addi %add3A_249, %mul3A_248 : i32
        %add3A_251 = arith.constant 1 : i32
        %add3A_252 = arith.addi %add3A_250, %add3A_251 : i32
        %get3A_253 = arith.index_cast %add3A_252 : i32 to index
        %get3A_254 = arith.index_cast %mul3A_240 : i32 to index
        %get3A_255 = tpu.vector_load %arg6[%get3A_253, %get3A_254] {strides = array<i32>} : memref<88x128xf32, #tpu.memory_space<vmem>>, vector<16xf32>,
        %add3A_256 = arith.addf %get3A_246, %get3A_255 : vector<16xf32>
        %mul3A_257 = arith.constant 5 : i32
        %mul3A_258 = arith.muli %mul3A_257, %scan3A_167 : i32
        %add3A_259 = arith.constant 48 : i32
        %add3A_260 = arith.addi %add3A_259, %mul3A_258 : i32
        %add3A_261 = arith.constant 2 : i32
        %add3A_262 = arith.addi %add3A_260, %add3A_261 : i32
        %get3A_263 = arith.index_cast %add3A_262 : i32 to index
        %get3A_264 = arith.index_cast %mul3A_240 : i32 to index
        %get3A_265 = tpu.vector_load %arg6[%get3A_263, %get3A_264] {strides = array<i32>} : memref<88x128xf32, #tpu.memory_space<vmem>>, vector<16xf32>,
        %add3A_266 = arith.addf %add3A_256, %get3A_265 : vector<16xf32>
        %mul3A_267 = arith.constant 5 : i32
        %mul3A_268 = arith.muli %mul3A_267, %scan3A_167 : i32
        %add3A_269 = arith.constant 48 : i32
        %add3A_270 = arith.addi %add3A_269, %mul3A_268 : i32
        %add3A_271 = arith.constant 3 : i32
        %add3A_272 = arith.addi %add3A_270, %add3A_271 : i32
        %get3A_273 = arith.index_cast %add3A_272 : i32 to index
        %get3A_274 = arith.index_cast %mul3A_240 : i32 to index
        %get3A_275 = tpu.vector_load %arg6[%get3A_273, %get3A_274] {strides = array<i32>} : memref<88x128xf32, #tpu.memory_space<vmem>>, vector<16xf32>,
        %add3A_276 = arith.addf %add3A_266, %get3A_275 : vector<16xf32>
        %mul3A_277 = arith.constant 5 : i32
        %mul3A_278 = arith.muli %mul3A_277, %scan3A_167 : i32
        %add3A_279 = arith.constant 48 : i32
        %add3A_280 = arith.addi %add3A_279, %mul3A_278 : i32
        %add3A_281 = arith.constant 4 : i32
        %add3A_282 = arith.addi %add3A_280, %add3A_281 : i32
        %get3A_283 = arith.index_cast %add3A_282 : i32 to index
        %get3A_284 = arith.index_cast %mul3A_240 : i32 to index
        %get3A_285 = tpu.vector_load %arg6[%get3A_283, %get3A_284] {strides = array<i32>} : memref<88x128xf32, #tpu.memory_space<vmem>>, vector<16xf32>,
        %add3A_286 = arith.addf %add3A_276, %get3A_285 : vector<16xf32>
        %get3A_287 = arith.index_cast %scan3A_167 : i32 to index
        %get3A_288 = arith.index_cast %mul3A_240 : i32 to index
        %get3A_289 = tpu.vector_load %arg6[%get3A_287, %get3A_288] {strides = array<i32>} : memref<88x128xf32, #tpu.memory_space<vmem>>, vector<16xf32>,
        %mul3A_290 = vector.broadcast %scan3A_61 : f32 to vector<16xf32>
        %mul3A_291 = arith.mulf %add3A_286, %mul3A_290 : vector<16xf32>
        %mul3A_292 = arith.mulf %get3A_289, %mul3A_291 : vector<16xf32>
        %add3A_293 = arith.addf %scan3A_238, %mul3A_292 : vector<16xf32>
        scf.yield %add3A_293 : vector<16xf32>
      }
      %scan3A_174 = arith.constant 8 : i32
      %add3A_175 = arith.constant 8 : i32
      %add3A_176 = arith.addi %scan3A_167, %add3A_175 : i32
      %eq3A_177 = vector.broadcast %add3A_176 : i32 to vector<16xi32>
      %eq3A_178 = arith.cmpi eq, %iota3A, %eq3A_177 : vector<16xi32>
      %iota3A_179 = tpu.iota {dimensions = array<i32: 0>} : vector<16xi32>
      %xor3A_180 = arith.constant 1 : i32
      %xor3A_181 = vector.broadcast %xor3A_180 : i32 to vector<16xi32>
      %xor3A_182 = arith.xori %iota3A_179, %xor3A_181 : vector<16xi32>
      %lt3A_183 = arith.constant 0 : i32
      %lt3A_184 = vector.broadcast %lt3A_183 : i32 to vector<16xi32>
      %lt3A_185 = arith.cmpi slt, %xor3A_182, %lt3A_184 : vector<16xi32>
      %add3A_186 = arith.constant 16 : i32
      %add3A_187 = vector.broadcast %add3A_186 : i32 to vector<16xi32>
      %add3A_188 = arith.addi %xor3A_182, %add3A_187 : vector<16xi32>
      %select_n3A_189 = arith.select %lt3A_185, %add3A_188, %xor3A_182 : vector<16xi1>, vector<16xi32>
      %broadcast_in_dim3A_190 = vector.shape_cast %select_n3A_189 : vector<16xi32> to vector<16x1xi32>
      %gather3A_191 = vector.shape_cast %broadcast_in_dim3A_190 : vector<16x1xi32> to vector<16xi32>
      %gather3A_192 = tpu.dynamic_gather %scan3A_173[%gather3A_191] in [0] : vector<16xf32>, vector<16xi32> -> vector<16xf32>
      %add3A_193 = arith.addf %scan3A_173, %gather3A_192 : vector<16xf32>
      %xor3A_194 = arith.constant 2 : i32
      %xor3A_195 = vector.broadcast %xor3A_194 : i32 to vector<16xi32>
      %xor3A_196 = arith.xori %iota3A_179, %xor3A_195 : vector<16xi32>
      %lt3A_197 = arith.constant 0 : i32
      %lt3A_198 = vector.broadcast %lt3A_197 : i32 to vector<16xi32>
      %lt3A_199 = arith.cmpi slt, %xor3A_196, %lt3A_198 : vector<16xi32>
      %add3A_200 = arith.constant 16 : i32
      %add3A_201 = vector.broadcast %add3A_200 : i32 to vector<16xi32>
      %add3A_202 = arith.addi %xor3A_196, %add3A_201 : vector<16xi32>
      %select_n3A_203 = arith.select %lt3A_199, %add3A_202, %xor3A_196 : vector<16xi1>, vector<16xi32>
      %broadcast_in_dim3A_204 = vector.shape_cast %select_n3A_203 : vector<16xi32> to vector<16x1xi32>
      %gather3A_205 = vector.shape_cast %broadcast_in_dim3A_204 : vector<16x1xi32> to vector<16xi32>
      %gather3A_206 = tpu.dynamic_gather %add3A_193[%gather3A_205] in [0] : vector<16xf32>, vector<16xi32> -> vector<16xf32>
      %add3A_207 = arith.addf %add3A_193, %gather3A_206 : vector<16xf32>
      %xor3A_208 = arith.constant 4 : i32
      %xor3A_209 = vector.broadcast %xor3A_208 : i32 to vector<16xi32>
      %xor3A_210 = arith.xori %iota3A_179, %xor3A_209 : vector<16xi32>
      %lt3A_211 = arith.constant 0 : i32
      %lt3A_212 = vector.broadcast %lt3A_211 : i32 to vector<16xi32>
      %lt3A_213 = arith.cmpi slt, %xor3A_210, %lt3A_212 : vector<16xi32>
      %add3A_214 = arith.constant 16 : i32
      %add3A_215 = vector.broadcast %add3A_214 : i32 to vector<16xi32>
      %add3A_216 = arith.addi %xor3A_210, %add3A_215 : vector<16xi32>
      %select_n3A_217 = arith.select %lt3A_213, %add3A_216, %xor3A_210 : vector<16xi1>, vector<16xi32>
      %broadcast_in_dim3A_218 = vector.shape_cast %select_n3A_217 : vector<16xi32> to vector<16x1xi32>
      %gather3A_219 = vector.shape_cast %broadcast_in_dim3A_218 : vector<16x1xi32> to vector<16xi32>
      %gather3A_220 = tpu.dynamic_gather %add3A_207[%gather3A_219] in [0] : vector<16xf32>, vector<16xi32> -> vector<16xf32>
      %add3A_221 = arith.addf %add3A_207, %gather3A_220 : vector<16xf32>
      %xor3A_222 = arith.constant 8 : i32
      %xor3A_223 = vector.broadcast %xor3A_222 : i32 to vector<16xi32>
      %xor3A_224 = arith.xori %iota3A_179, %xor3A_223 : vector<16xi32>
      %lt3A_225 = arith.constant 0 : i32
      %lt3A_226 = vector.broadcast %lt3A_225 : i32 to vector<16xi32>
      %lt3A_227 = arith.cmpi slt, %xor3A_224, %lt3A_226 : vector<16xi32>
      %add3A_228 = arith.constant 16 : i32
      %add3A_229 = vector.broadcast %add3A_228 : i32 to vector<16xi32>
      %add3A_230 = arith.addi %xor3A_224, %add3A_229 : vector<16xi32>
      %select_n3A_231 = arith.select %lt3A_227, %add3A_230, %xor3A_224 : vector<16xi1>, vector<16xi32>
      %broadcast_in_dim3A_232 = vector.shape_cast %select_n3A_231 : vector<16xi32> to vector<16x1xi32>
      %gather3A_233 = vector.shape_cast %broadcast_in_dim3A_232 : vector<16x1xi32> to vector<16xi32>
      %gather3A_234 = tpu.dynamic_gather %add3A_221[%gather3A_233] in [0] : vector<16xf32>, vector<16xi32> -> vector<16xf32>
      %add3A_235 = arith.addf %add3A_221, %gather3A_234 : vector<16xf32>
      %select_n3A_236 = arith.select %eq3A_178, %add3A_235, %scan3A_168 : vector<16xi1>, vector<16xf32>
      scf.yield %select_n3A_236 : vector<16xf32>
    }
    %scan3A_67 = arith.constant 8 : i32
    tpu.wait_dma2 semaphore(%arg12 : memref<!tpu.dma_semaphore, #tpu.memory_space<semaphore_mem>>) src(%arg11 : memref<16384xf32, #tpu.memory_space<vmem_shared>>) dst(%arg8 : memref<16384xf32, #tpu.memory_space<vmem>>)
    %scan3A_68 = arith.constant 0 : i32
    %scan3A_69 = arith.constant 8 : i32
    %scan3A_70 = arith.addi %scan3A_68, %scan3A_69 : i32
    %scan3A_71 = arith.constant 1 : i32
    %scan3A_72 = scf.for %scan3A_167 = %scan3A_68 to %scan3A_70 step %scan3A_71 iter_args(%scan3A_168 = %broadcast_in_dim3A_34) -> (vector<16xf32>)  : i32 {
      %mul3A_169 = arith.constant 8 : i32
      %mul3A_170 = arith.muli %arg1, %mul3A_169 : i32
      %add3A_171 = arith.addi %mul3A_170, %scan3A_167 : i32
      %broadcast_in_dim3A_172 = vector.broadcast %add3A_171 : i32 to vector<16xi32>
      %scan3A_173 = arith.constant 0 : i32
      %scan3A_174 = arith.constant 8 : i32
      %scan3A_175 = arith.addi %scan3A_173, %scan3A_174 : i32
      %scan3A_176 = arith.constant 1 : i32
      %scan3A_177 = scf.for %scan3A_242 = %scan3A_173 to %scan3A_175 step %scan3A_176 iter_args(%scan3A_243 = %broadcast_in_dim3A_34) -> (vector<16xf32>)  : i32 {
        %mul3A_244 = arith.constant 16 : i32
        %mul3A_245 = arith.muli %scan3A_242, %mul3A_244 : i32
        %add3A_246 = vector.broadcast %mul3A_245 : i32 to vector<16xi32>
        %add3A_247 = arith.addi %iota3A, %add3A_246 : vector<16xi32>
        %mul3A_248 = arith.constant 128 : i32
        %mul3A_249 = vector.broadcast %mul3A_248 : i32 to vector<16xi32>
        %mul3A_250 = arith.muli %add3A_247, %mul3A_249 : vector<16xi32>
        %add3A_251 = arith.addi %mul3A_250, %broadcast_in_dim3A_172 : vector<16xi32>
        %gather3A_252 = tpu.vector_load_idx %arg8[%add3A_251] : memref<16384xf32, #tpu.memory_space<vmem>>[vector<16xi32>], vector<16xf32>,
        %mul3A_253 = arith.constant 16 : i32
        %mul3A_254 = arith.muli %scan3A_242, %mul3A_253 : i32
        %get3A = arith.index_cast %scan3A_167 : i32 to index
        %get3A_255 = arith.index_cast %mul3A_254 : i32 to index
        %get3A_256 = tpu.vector_load %arg6[%get3A, %get3A_255] {strides = array<i32>} : memref<88x128xf32, #tpu.memory_space<vmem>>, vector<16xf32>,
        %mul3A_257 = arith.mulf %get3A_256, %gather3A_252 : vector<16xf32>
        %add3A_258 = arith.addf %scan3A_243, %mul3A_257 : vector<16xf32>
        scf.yield %add3A_258 : vector<16xf32>
      }
      %scan3A_178 = arith.constant 8 : i32
      %eq3A_179 = vector.broadcast %scan3A_167 : i32 to vector<16xi32>
      %eq3A_180 = arith.cmpi eq, %iota3A, %eq3A_179 : vector<16xi32>
      %iota3A_181 = tpu.iota {dimensions = array<i32: 0>} : vector<16xi32>
      %xor3A_182 = arith.constant 1 : i32
      %xor3A_183 = vector.broadcast %xor3A_182 : i32 to vector<16xi32>
      %xor3A_184 = arith.xori %iota3A_181, %xor3A_183 : vector<16xi32>
      %lt3A_185 = arith.constant 0 : i32
      %lt3A_186 = vector.broadcast %lt3A_185 : i32 to vector<16xi32>
      %lt3A_187 = arith.cmpi slt, %xor3A_184, %lt3A_186 : vector<16xi32>
      %add3A_188 = arith.constant 16 : i32
      %add3A_189 = vector.broadcast %add3A_188 : i32 to vector<16xi32>
      %add3A_190 = arith.addi %xor3A_184, %add3A_189 : vector<16xi32>
      %select_n3A_191 = arith.select %lt3A_187, %add3A_190, %xor3A_184 : vector<16xi1>, vector<16xi32>
      %broadcast_in_dim3A_192 = vector.shape_cast %select_n3A_191 : vector<16xi32> to vector<16x1xi32>
      %gather3A_193 = vector.shape_cast %broadcast_in_dim3A_192 : vector<16x1xi32> to vector<16xi32>
      %gather3A_194 = tpu.dynamic_gather %scan3A_177[%gather3A_193] in [0] : vector<16xf32>, vector<16xi32> -> vector<16xf32>
      %add3A_195 = arith.addf %scan3A_177, %gather3A_194 : vector<16xf32>
      %xor3A_196 = arith.constant 2 : i32
      %xor3A_197 = vector.broadcast %xor3A_196 : i32 to vector<16xi32>
      %xor3A_198 = arith.xori %iota3A_181, %xor3A_197 : vector<16xi32>
      %lt3A_199 = arith.constant 0 : i32
      %lt3A_200 = vector.broadcast %lt3A_199 : i32 to vector<16xi32>
      %lt3A_201 = arith.cmpi slt, %xor3A_198, %lt3A_200 : vector<16xi32>
      %add3A_202 = arith.constant 16 : i32
      %add3A_203 = vector.broadcast %add3A_202 : i32 to vector<16xi32>
      %add3A_204 = arith.addi %xor3A_198, %add3A_203 : vector<16xi32>
      %select_n3A_205 = arith.select %lt3A_201, %add3A_204, %xor3A_198 : vector<16xi1>, vector<16xi32>
      %broadcast_in_dim3A_206 = vector.shape_cast %select_n3A_205 : vector<16xi32> to vector<16x1xi32>
      %gather3A_207 = vector.shape_cast %broadcast_in_dim3A_206 : vector<16x1xi32> to vector<16xi32>
      %gather3A_208 = tpu.dynamic_gather %add3A_195[%gather3A_207] in [0] : vector<16xf32>, vector<16xi32> -> vector<16xf32>
      %add3A_209 = arith.addf %add3A_195, %gather3A_208 : vector<16xf32>
      %xor3A_210 = arith.constant 4 : i32
      %xor3A_211 = vector.broadcast %xor3A_210 : i32 to vector<16xi32>
      %xor3A_212 = arith.xori %iota3A_181, %xor3A_211 : vector<16xi32>
      %lt3A_213 = arith.constant 0 : i32
      %lt3A_214 = vector.broadcast %lt3A_213 : i32 to vector<16xi32>
      %lt3A_215 = arith.cmpi slt, %xor3A_212, %lt3A_214 : vector<16xi32>
      %add3A_216 = arith.constant 16 : i32
      %add3A_217 = vector.broadcast %add3A_216 : i32 to vector<16xi32>
      %add3A_218 = arith.addi %xor3A_212, %add3A_217 : vector<16xi32>
      %select_n3A_219 = arith.select %lt3A_215, %add3A_218, %xor3A_212 : vector<16xi1>, vector<16xi32>
      %broadcast_in_dim3A_220 = vector.shape_cast %select_n3A_219 : vector<16xi32> to vector<16x1xi32>
      %gather3A_221 = vector.shape_cast %broadcast_in_dim3A_220 : vector<16x1xi32> to vector<16xi32>
      %gather3A_222 = tpu.dynamic_gather %add3A_209[%gather3A_221] in [0] : vector<16xf32>, vector<16xi32> -> vector<16xf32>
      %add3A_223 = arith.addf %add3A_209, %gather3A_222 : vector<16xf32>
      %xor3A_224 = arith.constant 8 : i32
      %xor3A_225 = vector.broadcast %xor3A_224 : i32 to vector<16xi32>
      %xor3A_226 = arith.xori %iota3A_181, %xor3A_225 : vector<16xi32>
      %lt3A_227 = arith.constant 0 : i32
      %lt3A_228 = vector.broadcast %lt3A_227 : i32 to vector<16xi32>
      %lt3A_229 = arith.cmpi slt, %xor3A_226, %lt3A_228 : vector<16xi32>
      %add3A_230 = arith.constant 16 : i32
      %add3A_231 = vector.broadcast %add3A_230 : i32 to vector<16xi32>
      %add3A_232 = arith.addi %xor3A_226, %add3A_231 : vector<16xi32>
      %select_n3A_233 = arith.select %lt3A_229, %add3A_232, %xor3A_226 : vector<16xi1>, vector<16xi32>
      %broadcast_in_dim3A_234 = vector.shape_cast %select_n3A_233 : vector<16xi32> to vector<16x1xi32>
      %gather3A_235 = vector.shape_cast %broadcast_in_dim3A_234 : vector<16x1xi32> to vector<16xi32>
      %gather3A_236 = tpu.dynamic_gather %add3A_223[%gather3A_235] in [0] : vector<16xf32>, vector<16xi32> -> vector<16xf32>
      %add3A_237 = arith.addf %add3A_223, %gather3A_236 : vector<16xf32>
      %neg3A_238 = arith.constant 0.000000e+00 : f32
      %neg3A_239 = vector.broadcast %neg3A_238 : f32 to vector<16xf32>
      %neg3A_240 = arith.subf %neg3A_239, %add3A_237 : vector<16xf32>
      %select_n3A_241 = arith.select %eq3A_180, %neg3A_240, %scan3A_168 : vector<16xi1>, vector<16xf32>
      scf.yield %select_n3A_241 : vector<16xf32>
    }
    %scan3A_73 = arith.constant 8 : i32
    %add3A = arith.addf %scan3A_72, %scan3A_66 : vector<16xf32>
    %abs3A = math.absf %add3A : vector<16xf32>
    %neg3A = arith.constant 0.000000e+00 : f32
    %neg3A_74 = vector.broadcast %neg3A : f32 to vector<16xf32>
    %neg3A_75 = arith.subf %neg3A_74, %abs3A : vector<16xf32>
    %exp3A = math.exp %neg3A_75 : vector<16xf32>
    %add3A_76 = arith.constant 2.000000e+00 : f32
    %add3A_77 = vector.broadcast %add3A_76 : f32 to vector<16xf32>
    %add3A_78 = arith.addf %exp3A, %add3A_77 : vector<16xf32>
    %div3A = arith.divf %exp3A, %add3A_78 : vector<16xf32>
    %mul3A_79 = arith.mulf %div3A, %div3A : vector<16xf32>
    %mul3A_80 = arith.constant 2.000000e+00 : f32
    %mul3A_81 = vector.broadcast %mul3A_80 : f32 to vector<16xf32>
    %mul3A_82 = arith.mulf %mul3A_81, %div3A : vector<16xf32>
    %mul3A_83 = arith.constant 0.142857149 : f32
    %mul3A_84 = vector.broadcast %mul3A_83 : f32 to vector<16xf32>
    %mul3A_85 = arith.mulf %mul3A_79, %mul3A_84 : vector<16xf32>
    %add3A_86 = arith.constant 2.000000e-01 : f32
    %add3A_87 = vector.broadcast %add3A_86 : f32 to vector<16xf32>
    %add3A_88 = arith.addf %add3A_87, %mul3A_85 : vector<16xf32>
    %mul3A_89 = arith.mulf %mul3A_79, %add3A_88 : vector<16xf32>
    %add3A_90 = arith.constant 0.333333343 : f32
    %add3A_91 = vector.broadcast %add3A_90 : f32 to vector<16xf32>
    %add3A_92 = arith.addf %add3A_91, %mul3A_89 : vector<16xf32>
    %mul3A_93 = arith.mulf %mul3A_79, %add3A_92 : vector<16xf32>
    %add3A_94 = arith.constant 1.000000e+00 : f32
    %add3A_95 = vector.broadcast %add3A_94 : f32 to vector<16xf32>
    %add3A_96 = arith.addf %add3A_95, %mul3A_93 : vector<16xf32>
    %mul3A_97 = arith.mulf %mul3A_82, %add3A_96 : vector<16xf32>
    %max3A = arith.constant 0.000000e+00 : f32
    %max3A_98 = vector.broadcast %max3A : f32 to vector<16xf32>
    %max3A_99 = arith.maximumf %add3A, %max3A_98 : vector<16xf32>
    %add3A_100 = arith.addf %max3A_99, %mul3A_97 : vector<16xf32>
    %iota3A_101 = tpu.iota {dimensions = array<i32: 0>} : vector<16xi32>
    %xor3A = arith.constant 1 : i32
    %xor3A_102 = vector.broadcast %xor3A : i32 to vector<16xi32>
    %xor3A_103 = arith.xori %iota3A_101, %xor3A_102 : vector<16xi32>
    %lt3A = arith.constant 0 : i32
    %lt3A_104 = vector.broadcast %lt3A : i32 to vector<16xi32>
    %lt3A_105 = arith.cmpi slt, %xor3A_103, %lt3A_104 : vector<16xi32>
    %add3A_106 = arith.constant 16 : i32
    %add3A_107 = vector.broadcast %add3A_106 : i32 to vector<16xi32>
    %add3A_108 = arith.addi %xor3A_103, %add3A_107 : vector<16xi32>
    %select_n3A = arith.select %lt3A_105, %add3A_108, %xor3A_103 : vector<16xi1>, vector<16xi32>
    %broadcast_in_dim3A_109 = vector.shape_cast %select_n3A : vector<16xi32> to vector<16x1xi32>
    %gather3A = vector.shape_cast %broadcast_in_dim3A_109 : vector<16x1xi32> to vector<16xi32>
    %gather3A_110 = tpu.dynamic_gather %add3A_100[%gather3A] in [0] : vector<16xf32>, vector<16xi32> -> vector<16xf32>
    %add3A_111 = arith.addf %add3A_100, %gather3A_110 : vector<16xf32>
    %xor3A_112 = arith.constant 2 : i32
    %xor3A_113 = vector.broadcast %xor3A_112 : i32 to vector<16xi32>
    %xor3A_114 = arith.xori %iota3A_101, %xor3A_113 : vector<16xi32>
    %lt3A_115 = arith.constant 0 : i32
    %lt3A_116 = vector.broadcast %lt3A_115 : i32 to vector<16xi32>
    %lt3A_117 = arith.cmpi slt, %xor3A_114, %lt3A_116 : vector<16xi32>
    %add3A_118 = arith.constant 16 : i32
    %add3A_119 = vector.broadcast %add3A_118 : i32 to vector<16xi32>
    %add3A_120 = arith.addi %xor3A_114, %add3A_119 : vector<16xi32>
    %select_n3A_121 = arith.select %lt3A_117, %add3A_120, %xor3A_114 : vector<16xi1>, vector<16xi32>
    %broadcast_in_dim3A_122 = vector.shape_cast %select_n3A_121 : vector<16xi32> to vector<16x1xi32>
    %gather3A_123 = vector.shape_cast %broadcast_in_dim3A_122 : vector<16x1xi32> to vector<16xi32>
    %gather3A_124 = tpu.dynamic_gather %add3A_111[%gather3A_123] in [0] : vector<16xf32>, vector<16xi32> -> vector<16xf32>
    %add3A_125 = arith.addf %add3A_111, %gather3A_124 : vector<16xf32>
    %xor3A_126 = arith.constant 4 : i32
    %xor3A_127 = vector.broadcast %xor3A_126 : i32 to vector<16xi32>
    %xor3A_128 = arith.xori %iota3A_101, %xor3A_127 : vector<16xi32>
    %lt3A_129 = arith.constant 0 : i32
    %lt3A_130 = vector.broadcast %lt3A_129 : i32 to vector<16xi32>
    %lt3A_131 = arith.cmpi slt, %xor3A_128, %lt3A_130 : vector<16xi32>
    %add3A_132 = arith.constant 16 : i32
    %add3A_133 = vector.broadcast %add3A_132 : i32 to vector<16xi32>
    %add3A_134 = arith.addi %xor3A_128, %add3A_133 : vector<16xi32>
    %select_n3A_135 = arith.select %lt3A_131, %add3A_134, %xor3A_128 : vector<16xi1>, vector<16xi32>
    %broadcast_in_dim3A_136 = vector.shape_cast %select_n3A_135 : vector<16xi32> to vector<16x1xi32>
    %gather3A_137 = vector.shape_cast %broadcast_in_dim3A_136 : vector<16x1xi32> to vector<16xi32>
    %gather3A_138 = tpu.dynamic_gather %add3A_125[%gather3A_137] in [0] : vector<16xf32>, vector<16xi32> -> vector<16xf32>
    %add3A_139 = arith.addf %add3A_125, %gather3A_138 : vector<16xf32>
    %xor3A_140 = arith.constant 8 : i32
    %xor3A_141 = vector.broadcast %xor3A_140 : i32 to vector<16xi32>
    %xor3A_142 = arith.xori %iota3A_101, %xor3A_141 : vector<16xi32>
    %lt3A_143 = arith.constant 0 : i32
    %lt3A_144 = vector.broadcast %lt3A_143 : i32 to vector<16xi32>
    %lt3A_145 = arith.cmpi slt, %xor3A_142, %lt3A_144 : vector<16xi32>
    %add3A_146 = arith.constant 16 : i32
    %add3A_147 = vector.broadcast %add3A_146 : i32 to vector<16xi32>
    %add3A_148 = arith.addi %xor3A_142, %add3A_147 : vector<16xi32>
    %select_n3A_149 = arith.select %lt3A_145, %add3A_148, %xor3A_142 : vector<16xi1>, vector<16xi32>
    %broadcast_in_dim3A_150 = vector.shape_cast %select_n3A_149 : vector<16xi32> to vector<16x1xi32>
    %gather3A_151 = vector.shape_cast %broadcast_in_dim3A_150 : vector<16x1xi32> to vector<16xi32>
    %gather3A_152 = tpu.dynamic_gather %add3A_139[%gather3A_151] in [0] : vector<16xf32>, vector<16xi32> -> vector<16xf32>
    %add3A_153 = arith.addf %add3A_139, %gather3A_152 : vector<16xf32>
    %mul3A_154 = arith.constant 0x49800000 : f32
    %mul3A_155 = vector.broadcast %mul3A_154 : f32 to vector<16xf32>
    %mul3A_156 = arith.mulf %add3A_153, %mul3A_155 : vector<16xf32>
    %add3A_157 = arith.constant 5.000000e-01 : f32
    %add3A_158 = vector.broadcast %add3A_157 : f32 to vector<16xf32>
    %add3A_159 = arith.addf %mul3A_156, %add3A_158 : vector<16xf32>
    %convert_element_type3A = arith.fptosi %add3A_159 : vector<16xf32> to vector<16xi32>
    %barrier3A_160 = arith.constant 0 : index
    tpu.barrier barrier_id(%barrier3A_160)
    %slice3A = vector.extract_strided_slice %convert_element_type3A {offsets = [0], sizes = [1], strides = [1]} : vector<16xi32> to vector<1xi32>
    %squeeze3A = vector.extract %slice3A[0] : i32 from vector<1xi32>
    %sc_fetch_and_add3A = arith.constant 0 : i32
    %sc_fetch_and_add3A_161 = arith.constant 0 : i32
    %sc_fetch_and_add3A_162 = tpu.fetch_and_add_sync %arg10[%sc_fetch_and_add3A], %squeeze3A, %sc_fetch_and_add3A_161 : memref<1xi32, #tpu.memory_space<smem>>, i32 -> i32
    %barrier3A_163 = arith.constant 0 : index
    tpu.barrier barrier_id(%barrier3A_163)
    %eq3A = arith.constant 0 : i32
    %eq3A_164 = arith.cmpi eq, %arg1, %eq3A : i32
    %convert_element_type3A_165 = arith.extui %eq3A_164 : i1 to i32
    %cond3A = arith.constant 0 : i32
    %cond3A_166 = arith.cmpi ne, %convert_element_type3A_165, %cond3A : i32
    scf.if %cond3A_166 {
      %get3A = arith.constant 0 : i32
      %get3A_167 = arith.index_cast %get3A : i32 to index
      %get3A_168 = memref.load %arg10[%get3A_167] : memref<1xi32, #tpu.memory_space<smem>>
      %convert_element_type3A_169 = arith.sitofp %get3A_168 : i32 to f32
      %mul3A_170 = arith.constant 7.4505806E-9 : f32
      %mul3A_171 = arith.mulf %convert_element_type3A_169, %mul3A_170 : f32
      %broadcast_in_dim3A_172 = vector.broadcast %mul3A_171 : f32 to vector<16xf32>
      %swap3A_173 = arith.constant 0 : index
      %swap3A_174 = tpu.vector_load %arg9[%swap3A_173] {strides = array<i32>} : memref<16xf32, #tpu.memory_space<vmem>>, vector<16xf32>,
      tpu.vector_store %arg9[%swap3A_173], %broadcast_in_dim3A_172 {strides = array<i32>} : memref<16xf32, #tpu.memory_space<vmem>>, vector<16xf32>,
      "tpu.region"() ({
        %run_scoped3A = tpu.sem_alloc : memref<!tpu.dma_semaphore, #tpu.memory_space<semaphore_mem>>
        tpu.enqueue_dma source(%arg9 : memref<16xf32, #tpu.memory_space<vmem>>) target(%arg4 : memref<16xf32, #tpu.memory_space<hbm>>) target_semaphore(%run_scoped3A : memref<!tpu.dma_semaphore, #tpu.memory_space<semaphore_mem>>)
        tpu.wait_dma2 semaphore(%run_scoped3A : memref<!tpu.dma_semaphore, #tpu.memory_space<semaphore_mem>>) src(%arg9 : memref<16xf32, #tpu.memory_space<vmem>>) dst(%arg4 : memref<16xf32, #tpu.memory_space<hbm>>)
        tpu.yield
      }) : () -> ()
    } else {
    }
    return
  }
}

</mosaic_0001>

<sc_bundles>
// kernel: kernel.3.cloned.1.call-start
scs
__scs_entry_jumppad:
0x0: {  	(pc) =	sbr.rel $0x88, $3  }
0x1: {  	(tag) =	ssettag $0x0;
	lr =	simm.s32 $0x1  }
0x2: {  	[smem:$0x3F9D] =	sst lr;
	_ =	strace $0xD0000000  }
0x3: {  	_ = 	snop  }
0x4: {  	_ = 	snop  }
0x5: {  	_ = 	snop  }
0x6: {  	_ = 	snop  }
0x7: {  	_ = 	snop  }
__scs_overlays_trampoline_lowered:
0x8: {  	[smem:$0x3FAC] =	sst s0  }
0x9: {  	[smem:$0x3FAD] =	sst s1  }
0xa: {  	[smem:$0x3FAE] =	sst s2  }
0xb: {  	[smem:$0x3FAF] =	sst s3  }
0xc: {  	[smem:$0x3FB0] =	sst s4  }
0xd: {  	[smem:$0x3FB1] =	sst s5  }
0xe: {  	[smem:$0x3FB2] =	sst s6  }
0xf: {  	[smem:$0x3FB3] =	sst s7  }
0x10: {  	[smem:$0x3FB4] =	sst s8  }
0x11: {  	[smem:$0x3FB5] =	sst s9;
	s0 =	simm.s32 @!p0 $0x0  }
0x12: {  	s1 =	sld [smem:$0x3F9B];
	s0 =	simm.s32 @p0 $0x1  }
0x13: {  	[smem:$0x3FB6] =	sst s0;
	s0 =	simm.s32 @!p1 $0x0  }
0x14: {  	s2 =	sld [smem:$0x3F9A];
	s0 =	simm.s32 @p1 $0x1  }
0x15: {  	[smem:$0x3FB7] =	sst s0;
	s0 =	simm.s32 @!p2 $0x0  }
0x16: {  	s3 =	sld [smem:$0x3FDB];
	s0 =	simm.s32 @p2 $0x1  }
0x17: {  	s4 =	simm.s32 $0x1BF5;
	[smem:$0x3FB9] =	sst s0  }
0x18: {  	s0 =	sld [smem:$0x3F9C];
	_ =	swait.ge [sflag:s4], $0x0  }
0x19: {  	s7 =	sld [smem:$0x3F9D]  }
0x1a: {  	s8 =	sadd.s32 $0xFFFFE003, lr  }
0x1b: {  	s9 =	sadd.s32 $0xFFFFFEF7, lr;
	s5 =	simm.s32 $0xFFFFFFFF;
	p2 =	slt.u32 s8, $0xFFFFF086  }
0x1c: {  	p1 =	slt.u32 s9, $0xF7A;
	s5 =	simm.s32 @!p2 $0x0  }
0x1d: {  	s5 =	simm.s32 @p1 $0x1;
	p0 =	seq.s32 s7, s2  }
0x1e: {  	s7 =	smul.u32 @!p0 $0xF7A, s2;
	p2 =	seq.s32 @!p0 s5, $0x0  }
0x1f: {  	s9 =	smul.u32 $0xF7A, s1;
	s8 =	simm.s32 @!p0 $0x1BF5;
	p2 =	por !p2, p0  }
0x20: {  	[sflag:s8] =	ssyncset.s32 @!p0 $0xFFFFF086;
	s6 =	sadd.s32 @!p0 s3, s7;
	s7 =	simm.s32 @!p0 $0x108  }
0x21: {  	s3 =	sadd.s32 s3, s9;
	s6 =	sadd.s32 @!p0 $0x88, s6;
	s7 =	simm.s32 @p2 $0x1082  }
0x22: {  	[simem:s7], [sflag:s8] =	dma.local @!p0 [hbm:s6], $0xF7A  }
0x23: {  	s9 =	sor.u32 $0xD0000000, s2;
	s6 =	simm.s32 $0x108;
	_ =	swait.ge @!p0 [sflag:s8], $0x0  }
0x24: {  	s3 =	sadd.s32 $0x88, s3;
	s6 =	simm.s32 @!p1 $0x1082;
	[sflag:s4] =	ssyncset.s32 $0xFFFFF086  }
0x25: {  	[simem:s6], [sflag:s4] =	dma.local [hbm:s3], $0xF7A  }
0x26: {  	[smem:$0x3F9D] =	sst s1;
	(tag) =	ssettag s2;
	_ =	strace s9  }
0x27: {  	s1 =	sld [smem:$0x3FAD]  }
0x28: {  	s2 =	sld [smem:$0x3FAE]  }
0x29: {  	s4 =	sld [smem:$0x3FB0]  }
0x2a: {  	p0 =	seq.s32 s5, $0x0;
	s5 =	sld [smem:$0x3FB1]  }
0x2b: {  	s6 =	sld [smem:$0x3FB2]  }
0x2c: {  	s7 =	sld [smem:$0x3FB3]  }
0x2d: {  	s3 =	simm.s32 $0x108;
	s8 =	sld [smem:$0x3FB4]  }
0x2e: {  	s3 =	simm.s32 @!p0 $0x1082;
	s9 =	sld [smem:$0x3FB5]  }
0x2f: {  	lr =	sadd.s32 s0, s3;
	s0 =	sld [smem:$0x3FAC]  }
0x30: {  	s3 =	sld [smem:$0x3FAF]  }
0x31: {  	[smem:$0x3FB8] =	sst s10  }
0x32: {  	s10 =	sld [smem:$0x3FB6];
	_ =	sdelay $0x3  }
0x33: {  	p0 =	seq.s32 s10, $0x1;
	s10 =	sld [smem:$0x3FB8];
	_ =	sdelay $0x3  }
0x34: {  	[smem:$0x3FB8] =	sst s10  }
0x35: {  	s10 =	sld [smem:$0x3FB7];
	_ =	sdelay $0x3  }
0x36: {  	p1 =	seq.s32 s10, $0x1;
	s10 =	sld [smem:$0x3FB8];
	_ =	sdelay $0x3  }
0x37: {  	[smem:$0x3FB8] =	sst s10  }
0x38: {  	s10 =	sld [smem:$0x3FB9]  }
0x39: {  	_ = 	snop;
	(pc) =	sbr.ind lr, $3  }
0x3a: {  	_ = 	snop  }
0x3b: {  	_ = 	snop  }
0x3c: {  	p2 =	seq.s32 s10, $0x1;
	s10 =	sld [smem:$0x3FB8]  }
0x3d: {  	_ =	shalt  }
0x3e: {  	_ =	shalt  }
0x3f: {  	_ =	shalt  }
0x40: {  	_ =	shalt  }
0x41: {  	_ =	shalt  }
0x42: {  	_ =	shalt  }
0x43: {  	_ =	shalt  }
0x44: {  	_ =	shalt  }
0x45: {  	_ =	shalt  }
0x46: {  	_ =	shalt  }
0x47: {  	_ =	shalt  }
0x48: {  	_ =	shalt  }
0x49: {  	_ =	shalt  }
0x4a: {  	_ =	shalt  }
0x4b: {  	_ =	shalt  }
0x4c: {  	_ =	shalt  }
0x4d: {  	_ =	shalt  }
0x4e: {  	_ =	shalt  }
0x4f: {  	_ =	shalt  }
0x50: {  	_ =	shalt  }
0x51: {  	_ =	shalt  }
0x52: {  	_ =	shalt  }
0x53: {  	_ =	shalt  }
0x54: {  	_ =	shalt  }
0x55: {  	_ =	shalt  }
0x56: {  	_ =	shalt  }
0x57: {  	_ =	shalt  }
0x58: {  	_ =	shalt  }
0x59: {  	_ =	shalt  }
0x5a: {  	_ =	shalt  }
0x5b: {  	_ =	shalt  }
0x5c: {  	_ =	shalt  }
0x5d: {  	_ =	shalt  }
0x5e: {  	_ =	shalt  }
0x5f: {  	_ =	shalt  }
0x60: {  	_ =	shalt  }
0x61: {  	_ =	shalt  }
0x62: {  	_ =	shalt  }
0x63: {  	_ =	shalt  }
0x64: {  	_ =	shalt  }
0x65: {  	_ =	shalt  }
0x66: {  	_ =	shalt  }
0x67: {  	_ =	shalt  }
0x68: {  	_ =	shalt  }
0x69: {  	_ =	shalt  }
0x6a: {  	_ =	shalt  }
0x6b: {  	_ =	shalt  }
0x6c: {  	_ =	shalt  }
0x6d: {  	_ =	shalt  }
0x6e: {  	_ =	shalt  }
0x6f: {  	_ =	shalt  }
0x70: {  	_ =	shalt  }
0x71: {  	_ =	shalt  }
0x72: {  	_ =	shalt  }
0x73: {  	_ =	shalt  }
0x74: {  	_ =	shalt  }
0x75: {  	_ =	shalt  }
0x76: {  	_ =	shalt  }
0x77: {  	_ =	shalt  }
0x78: {  	_ =	shalt  }
0x79: {  	_ =	shalt  }
0x7a: {  	_ =	shalt  }
0x7b: {  	_ =	shalt  }
0x7c: {  	_ =	shalt  }
0x7d: {  	_ =	shalt  }
0x7e: {  	_ =	shalt  }
0x7f: {  	_ =	shalt  }
0x80: {  	_ =	shalt  }
0x81: {  	_ =	shalt  }
0x82: {  	_ =	shalt  }
0x83: {  	_ =	shalt  }
0x84: {  	_ =	shalt  }
0x85: {  	_ =	shalt  }
0x86: {  	_ =	shalt  }
0x87: {  	_ =	shalt  }
.Lfunc_end0:
.L_simem_size_0:
called_computation_lowered:
.L_overlay_start_0:
0x88: {  	s0 =	sld [smem:$0x3FD9]  }
0x89: {  	s1 =	sld [smem:$0x3FFE];
	_ =	sdelay $0x3  }
0x8a: {  	s0 =	sadd.s32 s1, s0  }
0x8b: {  	[smem:$0x3FC4] =	sst s0  }
0x8c: {  	_ = 	snop  }
0x8d: {  	s0 =	sld [smem:$0x3FC6]  }
0x8e: {  	s16 =	sld [smem:$0x3FD0];
	(tm) =	ssettm $0x1  }
0x8f: {  	s2 =	sld [smem:$0x3FFB];
	_ =	sdelay $0x3  }
0x90: {  	_ =	strace s2  }
0x91: {  	s2 =	sld [smem:$0x3FFC];
	_ =	sdelay $0x3  }
0x92: {  	_ =	strace s2  }
0x93: {  	s2 =	sld [smem:$0x3FFD];
	_ =	sdelay $0x3  }
0x94: {  	_ =	strace s2  }
0x95: {  	_ =	strace $0x8FFFFFFF  }
0x96: {  	s17 =	sld [smem:$0x3FDB];
	_ =	sdelay $0x1  }
0x97: {  	s3 =	simm.s32 $_scs_section_size  }
0x98: {  	s4 =	simm.s32 $_size__tile_overlayer_lowered;
	s5 =	simm.s32 $_tile_overlayer_lowered  }
0x99: {  	s20 =	simm.s32 $0x1BFF;
	s19 =	sshll.u32 s5, $0x1;
	s2 =	sadd.s32 s3, s17  }
0x9a: {  	s6 =	simm.s32 $0x0;
	s18 =	sshll.u32 s4, $0x1;
	s4 =	sadd.s32 s19, s2  }
0x9b: {  	[timem:s6], [sflag:s20] =	dma.local [hbm:s4], s18  }
0x9c: {  	_ =	swait.ge [sflag:s20], s18  }
0x9d: {  	s3 =	ssub.s32 $0x0, s18;
	[sflag:s20] =	ssyncset.done $0x0  }
0x9e: {  	[sflag:s20] =	ssyncadd.s32 s3;
	_ =	sdelay $0x1  }
0x9f: {  	s21 =	simm.s32 $0x1B8B  }
0xa0: {  	_ =	swait.ge [sflag:s21], $0x1  }
0xa1: {  	[sflag:s21] =	ssyncset.done $0x0  }
0xa2: {  	s23 =	simm.s32 $0x1B8E;
	s22 =	sld [smem:$0x3FFE];
	[sflag:s21] =	ssyncadd.s32 $0xFFFFFFFF  }
0xa3: {  	s24 =	simm.s32 $execute0_lowered;
	[smem:$0x3FD2] =	sst s23  }
0xa4: {  	s4 =	sshll.u32 s24, $0x1;
	_ =	strace $0x80000046;
	[dreg:$0x1] =	wrdreg $0xFFFFFFFF  }
0xa5: {  	s25 =	simm.s32 $_size_execute0_lowered;
	s2 =	sadd.s32 s2, s4;
	[dreg:$0x0] =	wrdreg $0x0  }
0xa6: {  	s4 =	sshll.u32 s25, $0x1;
	[dreg:$0x2] =	wrdreg s2  }
0xa7: {  	[dreg:$0x3] =	wrdreg s4  }
0xa8: {  	[dreg:$0x4] =	wrdreg $0xC0  }
0xa9: {  	_ =	task [dreg:s6], $0x5FFFF  }
0xaa: {  	[dreg:$0x1] =	wrdreg $0xFFFFFFFF  }
0xab: {  	[dreg:$0x0] =	wrdreg $0x60  }
0xac: {  	[dreg:$0x2] =	wrdreg s22  }
0xad: {  	[dreg:$0x3] =	wrdreg s0  }
0xae: {  	[dreg:$0x4] =	wrdreg s16  }
0xaf: {  	[dreg:$0x5] =	wrdreg $0x71000  }
0xb0: {  	[dreg:$0x6] =	wrdreg $0x9  }
0xb1: {  	_ =	task.clear_ibuf [dreg:s6], $0x7FFFF;
	_ =	strace $0x90000046  }
0xb2: {  	s26 =	simm.s32 $0x9;
	_ =	strace $0x80000048  }
0xb3: {  	_ =	swait.ge [sflag:s26], $0x1  }
0xb4: {  	[sflag:s26] =	ssyncadd.s32 $0xFFFFFFFF  }
0xb5: {  	_ =	strace $0x90000048  }
0xb6: {  	_ =	sfence  }
0xb7: {  	s28 =	sld [smem:$0x0];
	_ =	sdelay $0x1  }
0xb8: {  	s29 =	srdreg.scid  }
0xb9: {  	s30 =	sshll.u32 s29, $0xD;
	s31 =	sshrl.u32 s29, $0x2  }
0xba: {  	s1 =	sand.u32 $0x1, s29;
	s2 =	sand.u32 $0x4000, s30;
	s0 =	sadd.s32 s31, s28  }
0xbb: {  	s1 =	sor.u32 s2, s1;
	s0 =	sshll.u32 s0, $0x11  }
0xbc: {  	s0 =	sor.u32 s0, s1  }
0xbd: {  	s0 =	sadd.s32 $0x8F2B, s0  }
0xbe: {  	[sflag:s0] =	ssyncadd.remote.s32 $0x1  }
0xbf: {  	_ =	sfence.sel $0xFFFF  }
0xc0: {  	[dreg:$0x0] =	wrdreg $0xFFFFFFFF;
	(pc) =	sbr.abs _section_cstart, $3  }
0xc1: {  	[dreg:$0x1] =	wrdreg $0xFFFFFFFF  }
0xc2: {  	_ =	task.clear_ibuf [dreg:s6], $0x2FFFF;
	_ =	strace $0x9FFFFFFF  }
0xc3: {  	(tm) =	ssettm $0x7FFFFFFF  }
tec
execute0_lowered:
.L_overlay_start_1:
0x0: {  	(tag) =	ssettag $0x1  }
0x1: {  	s4 =	rddreg [dreg:$0x0]  }
0x2: {  	s5 =	rddreg [dreg:$0x1]  }
0x3: {  	s1 =	rddreg [dreg:$0x2];
	s2 =	stileid.u32  }
0x4: {  	s3 =	rddreg [dreg:$0x3];
	s6 =	smul.u32 $0xB, s2  }
0x5: {  	s0 =	rddreg [dreg:$0x4];
	s7 =	simm.s32 $0x0  }
0x6: {  	s24 =	simm.s32 $0x4;
	[smem:$0x7FF] =	sst s7;
	s4 =	sadd.s32 s6, s4  }
0x7: {  	_ =	strace $0x80000047;
	[smem:$0x0] =	sst s7;
	s4 =	sadd.s32 $0x400, s4  }
0x8: {  	[tilespmem:s7], [sflag:$0x4] =	stream.linear.gather [hbm4b:s4+s7], $0x58, $0x38;
	[tilespmem:$0x7500] =	vst v63  }
0x9: {  	_ =	swait.ge [sflag:s24], $0x58  }
0xa: {  	s25 =	simm.s32 $0x28;
	[sflag:s24] =	ssyncset.done $0x0  }
0xb: {  	s26 =	simm.s32 $0x8;
	s8 =	simm.s32 $0x480;
	[sflag:s24] =	ssyncadd.s32 $0xFFFFFFA8  }
0xc: {  	[tilespmem:s8], [sflag:$0x1] =	stream.indirect.gather [hbm4b:s5+s25], $0x80, s26, s25, $0xb8;
	[tilespmem:$0x7500] =	vst v63  }
0xd: {  	s28 =	simm.s32 $0x80  }
0xe: {  	[tilespmem:s28], [sflag:$0x2] =	stream.indirect.gather [hbm4b:s5+s26], $0x80, s7, s26, $0xb8;
	[tilespmem:$0x7500] =	vst v63  }
0xf: {  	s29 =	simm.s32 $0x30;
	s30 =	simm.s32 $0x1880;
	s31 =	simm.s32 $0x1  }
0x10: {  	[tilespmem:s30], [sflag:$0x2] =	stream.indirect.gather [hbm4b:s5+s25], $0x80, s29, s25, $0xb8;
	[tilespmem:$0x7500] =	vst v63  }
0x11: {  	_ =	swait.ge [sflag:s31], $0x1400  }
0x12: {  	[sflag:s31] =	ssyncset.done $0x0  }
0x13: {  	s4 =	simm.s32 $0x6F0;
	[sflag:s31] =	ssyncadd.s32 $0xFFFFEC00  }
0x14: {  	v0 =	vld [tilespmem:s4+$0xFFFFFD90]  }
0x15: {  	v1 =	vld [tilespmem:s4+$0xFFFFFE10];
	_ =	sdelay $0x1  }
0x16: {  	v2 =	vld [tilespmem:s4+$0xFFFFFE90];
	_ =	sdelay $0x1  }
0x17: {  	v3 =	vld [tilespmem:s4+$0xFFFFFF10]  }
0x18: {  	v0 =	vadd.f32 v1, v0  }
0x19: {  	v1 =	vld [tilespmem:s4+$0xFFFFFF90]  }
0x1a: {  	v0 =	vadd.f32 v2, v0;
	_ =	sdelay $0x1  }
0x1b: {  	v0 =	vadd.f32 v3, v0;
	_ =	sdelay $0x1  }
0x1c: {  	v0 =	vadd.f32 v1, v0;
	_ =	sdelay $0x1  }
0x1d: {  	v0 =	vmul.f32 $2.000000030e-01, v0  }
0x1e: {  	s5 =	simm.s32 $0x0  }
0x1f: {  	[tilespmem:s5+$0x2C80] =	vst v0  }
0x20: {  	v0 =	vld [tilespmem:s4+$0xFFFFFDA0]  }
0x21: {  	v1 =	vld [tilespmem:s4+$0xFFFFFE20];
	_ =	sdelay $0x1  }
0x22: {  	v2 =	vld [tilespmem:s4+$0xFFFFFEA0];
	_ =	sdelay $0x1  }
0x23: {  	v3 =	vld [tilespmem:s4+$0xFFFFFF20]  }
0x24: {  	v0 =	vadd.f32 v1, v0  }
0x25: {  	v1 =	vld [tilespmem:s4+$0xFFFFFFA0]  }
0x26: {  	v0 =	vadd.f32 v2, v0;
	_ =	sdelay $0x1  }
0x27: {  	v0 =	vadd.f32 v3, v0;
	_ =	sdelay $0x1  }
0x28: {  	v0 =	vadd.f32 v1, v0;
	_ =	sdelay $0x1  }
0x29: {  	v0 =	vmul.f32 $2.000000030e-01, v0;
	_ =	sdelay $0x1  }
0x2a: {  	[tilespmem:s5+$0x2C90] =	vst v0  }
0x2b: {  	v0 =	vld [tilespmem:s4+$0xFFFFFDB0]  }
0x2c: {  	v1 =	vld [tilespmem:s4+$0xFFFFFE30];
	_ =	sdelay $0x1  }
0x2d: {  	v2 =	vld [tilespmem:s4+$0xFFFFFEB0];
	_ =	sdelay $0x1  }
0x2e: {  	v3 =	vld [tilespmem:s4+$0xFFFFFF30]  }
0x2f: {  	v0 =	vadd.f32 v1, v0  }
0x30: {  	v1 =	vld [tilespmem:s4+$0xFFFFFFB0]  }
0x31: {  	v0 =	vadd.f32 v2, v0;
	_ =	sdelay $0x1  }
0x32: {  	v0 =	vadd.f32 v3, v0;
	_ =	sdelay $0x1  }
0x33: {  	v0 =	vadd.f32 v1, v0;
	_ =	sdelay $0x1  }
0x34: {  	v0 =	vmul.f32 $2.000000030e-01, v0;
	_ =	sdelay $0x1  }
0x35: {  	[tilespmem:s5+$0x2CA0] =	vst v0  }
0x36: {  	v0 =	vld [tilespmem:s4+$0xFFFFFDC0]  }
0x37: {  	v1 =	vld [tilespmem:s4+$0xFFFFFE40];
	_ =	sdelay $0x1  }
0x38: {  	v2 =	vld [tilespmem:s4+$0xFFFFFEC0];
	_ =	sdelay $0x1  }
0x39: {  	v3 =	vld [tilespmem:s4+$0xFFFFFF40]  }
0x3a: {  	v0 =	vadd.f32 v1, v0  }
0x3b: {  	v1 =	vld [tilespmem:s4+$0xFFFFFFC0]  }
0x3c: {  	v0 =	vadd.f32 v2, v0;
	_ =	sdelay $0x1  }
0x3d: {  	v0 =	vadd.f32 v3, v0;
	_ =	sdelay $0x1  }
0x3e: {  	v0 =	vadd.f32 v1, v0;
	_ =	sdelay $0x1  }
0x3f: {  	v0 =	vmul.f32 $2.000000030e-01, v0;
	_ =	sdelay $0x1  }
0x40: {  	[tilespmem:s5+$0x2CB0] =	vst v0  }
0x41: {  	v0 =	vld [tilespmem:s4+$0xFFFFFDD0]  }
0x42: {  	v1 =	vld [tilespmem:s4+$0xFFFFFE50];
	_ =	sdelay $0x1  }
0x43: {  	v2 =	vld [tilespmem:s4+$0xFFFFFED0];
	_ =	sdelay $0x1  }
0x44: {  	v3 =	vld [tilespmem:s4+$0xFFFFFF50]  }
0x45: {  	v0 =	vadd.f32 v1, v0  }
0x46: {  	v1 =	vld [tilespmem:s4+$0xFFFFFFD0]  }
0x47: {  	v0 =	vadd.f32 v2, v0;
	_ =	sdelay $0x1  }
0x48: {  	v0 =	vadd.f32 v3, v0;
	_ =	sdelay $0x1  }
0x49: {  	v0 =	vadd.f32 v1, v0;
	_ =	sdelay $0x1  }
0x4a: {  	v0 =	vmul.f32 $2.000000030e-01, v0;
	_ =	sdelay $0x1  }
0x4b: {  	[tilespmem:s5+$0x2CC0] =	vst v0  }
0x4c: {  	v0 =	vld [tilespmem:s4+$0xFFFFFDE0]  }
0x4d: {  	v1 =	vld [tilespmem:s4+$0xFFFFFE60];
	_ =	sdelay $0x1  }
0x4e: {  	v2 =	vld [tilespmem:s4+$0xFFFFFEE0];
	_ =	sdelay $0x1  }
0x4f: {  	v3 =	vld [tilespmem:s4+$0xFFFFFF60]  }
0x50: {  	v0 =	vadd.f32 v1, v0  }
0x51: {  	v1 =	vld [tilespmem:s4+$0xFFFFFFE0]  }
0x52: {  	v0 =	vadd.f32 v2, v0;
	_ =	sdelay $0x1  }
0x53: {  	v0 =	vadd.f32 v3, v0;
	_ =	sdelay $0x1  }
0x54: {  	v0 =	vadd.f32 v1, v0;
	_ =	sdelay $0x1  }
0x55: {  	v0 =	vmul.f32 $2.000000030e-01, v0;
	_ =	sdelay $0x1  }
0x56: {  	[tilespmem:s5+$0x2CD0] =	vst v0  }
0x57: {  	v0 =	vld [tilespmem:s4+$0xFFFFFDF0]  }
0x58: {  	v1 =	vld [tilespmem:s4+$0xFFFFFE70];
	_ =	sdelay $0x1  }
0x59: {  	v2 =	vld [tilespmem:s4+$0xFFFFFEF0];
	_ =	sdelay $0x1  }
0x5a: {  	v3 =	vld [tilespmem:s4+$0xFFFFFF70]  }
0x5b: {  	v0 =	vadd.f32 v1, v0  }
0x5c: {  	v1 =	vld [tilespmem:s4+$0xFFFFFFF0]  }
0x5d: {  	v0 =	vadd.f32 v2, v0;
	_ =	sdelay $0x1  }
0x5e: {  	v0 =	vadd.f32 v3, v0;
	_ =	sdelay $0x1  }
0x5f: {  	v0 =	vadd.f32 v1, v0;
	_ =	sdelay $0x1  }
0x60: {  	v0 =	vmul.f32 $2.000000030e-01, v0;
	_ =	sdelay $0x1  }
0x61: {  	[tilespmem:s5+$0x2CE0] =	vst v0  }
0x62: {  	v3 =	vld [tilespmem:s4+$0xFFFFFE00]  }
0x63: {  	v4 =	vld [tilespmem:s4+$0xFFFFFE80];
	_ =	sdelay $0x1  }
0x64: {  	v2 =	vld [tilespmem:s4+$0xFFFFFF00];
	_ =	sdelay $0x1  }
0x65: {  	v0 =	vld [tilespmem:s4+$0xFFFFFF80]  }
0x66: {  	s6 =	simm.s32 $0x200;
	v1 =	vld [tilespmem:s4+$0x0];
	v3 =	vadd.f32 v4, v3  }
.LBB2_1:
0x67: {  	p0 =	sne.s32 s6, $0xE00  }
0x68: {  	s4 =	sadd.s32 $0x280, s4;
	s7 =	smov.u32 s6;
	s6 =	sadd.s32 $0x200, s6;
	v2 =	vadd.f32 v2, v3  }
0x69: {  	_ = 	snop  }
0x6a: {  	v0 =	vadd.f32 v0, v2;
	_ =	sdelay $0x1  }
0x6b: {  	v0 =	vadd.f32 v1, v0;
	_ =	sdelay $0x1  }
0x6c: {  	v0 =	vmul.f32 $2.000000030e-01, v0;
	_ =	sdelay $0x1  }
0x6d: {  	[tilespmem:s5+$0x2CF0] =	vst v0  }
0x6e: {  	v0 =	vld [tilespmem:s4+$0xFFFFFD90]  }
0x6f: {  	v1 =	vld [tilespmem:s4+$0xFFFFFE10]  }
0x70: {  	v2 =	vld [tilespmem:s4+$0xFFFFFE90];
	_ =	sdelay $0x2  }
0x71: {  	v3 =	vld [tilespmem:s4+$0xFFFFFF10]  }
0x72: {  	v0 =	vadd.f32 v1, v0  }
0x73: {  	v1 =	vld [tilespmem:s4+$0xFFFFFF90]  }
0x74: {  	v0 =	vadd.f32 v2, v0;
	_ =	sdelay $0x1  }
0x75: {  	v0 =	vadd.f32 v3, v0;
	_ =	sdelay $0x1  }
0x76: {  	v0 =	vadd.f32 v1, v0;
	_ =	sdelay $0x1  }
0x77: {  	v0 =	vmul.f32 $2.000000030e-01, v0  }
0x78: {  	s5 =	sshra.s32 s7, $0x2  }
0x79: {  	[tilespmem:s5+$0x2C80] =	vst v0  }
0x7a: {  	v0 =	vld [tilespmem:s4+$0xFFFFFDA0]  }
0x7b: {  	v1 =	vld [tilespmem:s4+$0xFFFFFE20];
	_ =	sdelay $0x1  }
0x7c: {  	v2 =	vld [tilespmem:s4+$0xFFFFFEA0];
	_ =	sdelay $0x1  }
0x7d: {  	v3 =	vld [tilespmem:s4+$0xFFFFFF20]  }
0x7e: {  	v0 =	vadd.f32 v1, v0  }
0x7f: {  	v1 =	vld [tilespmem:s4+$0xFFFFFFA0]  }
0x80: {  	v0 =	vadd.f32 v2, v0;
	_ =	sdelay $0x1  }
0x81: {  	v0 =	vadd.f32 v3, v0;
	_ =	sdelay $0x1  }
0x82: {  	v0 =	vadd.f32 v1, v0;
	_ =	sdelay $0x1  }
0x83: {  	v0 =	vmul.f32 $2.000000030e-01, v0;
	_ =	sdelay $0x1  }
0x84: {  	[tilespmem:s5+$0x2C90] =	vst v0  }
0x85: {  	v0 =	vld [tilespmem:s4+$0xFFFFFDB0]  }
0x86: {  	v1 =	vld [tilespmem:s4+$0xFFFFFE30];
	_ =	sdelay $0x1  }
0x87: {  	v2 =	vld [tilespmem:s4+$0xFFFFFEB0];
	_ =	sdelay $0x1  }
0x88: {  	v3 =	vld [tilespmem:s4+$0xFFFFFF30]  }
0x89: {  	v0 =	vadd.f32 v1, v0  }
0x8a: {  	v1 =	vld [tilespmem:s4+$0xFFFFFFB0]  }
0x8b: {  	v0 =	vadd.f32 v2, v0;
	_ =	sdelay $0x1  }
0x8c: {  	v0 =	vadd.f32 v3, v0;
	_ =	sdelay $0x1  }
0x8d: {  	v0 =	vadd.f32 v1, v0;
	_ =	sdelay $0x1  }
0x8e: {  	v0 =	vmul.f32 $2.000000030e-01, v0;
	_ =	sdelay $0x1  }
0x8f: {  	[tilespmem:s5+$0x2CA0] =	vst v0  }
0x90: {  	v0 =	vld [tilespmem:s4+$0xFFFFFDC0]  }
0x91: {  	v1 =	vld [tilespmem:s4+$0xFFFFFE40]  }
0x92: {  	v2 =	vld [tilespmem:s4+$0xFFFFFEC0];
	_ =	sdelay $0x2  }
0x93: {  	v3 =	vld [tilespmem:s4+$0xFFFFFF40]  }
0x94: {  	v0 =	vadd.f32 v1, v0  }
0x95: {  	v1 =	vld [tilespmem:s4+$0xFFFFFFC0]  }
0x96: {  	v0 =	vadd.f32 v2, v0;
	_ =	sdelay $0x1  }
0x97: {  	v0 =	vadd.f32 v3, v0;
	_ =	sdelay $0x1  }
0x98: {  	v0 =	vadd.f32 v1, v0;
	_ =	sdelay $0x1  }
0x99: {  	v0 =	vmul.f32 $2.000000030e-01, v0;
	_ =	sdelay $0x1  }
0x9a: {  	[tilespmem:s5+$0x2CB0] =	vst v0  }
0x9b: {  	v0 =	vld [tilespmem:s4+$0xFFFFFDD0]  }
0x9c: {  	v1 =	vld [tilespmem:s4+$0xFFFFFE50];
	_ =	sdelay $0x1  }
0x9d: {  	v2 =	vld [tilespmem:s4+$0xFFFFFED0];
	_ =	sdelay $0x1  }
0x9e: {  	v3 =	vld [tilespmem:s4+$0xFFFFFF50]  }
0x9f: {  	v0 =	vadd.f32 v1, v0  }
0xa0: {  	v1 =	vld [tilespmem:s4+$0xFFFFFFD0]  }
0xa1: {  	v0 =	vadd.f32 v2, v0;
	_ =	sdelay $0x1  }
0xa2: {  	v0 =	vadd.f32 v3, v0;
	_ =	sdelay $0x1  }
0xa3: {  	v0 =	vadd.f32 v1, v0;
	_ =	sdelay $0x1  }
0xa4: {  	v0 =	vmul.f32 $2.000000030e-01, v0;
	_ =	sdelay $0x1  }
0xa5: {  	[tilespmem:s5+$0x2CC0] =	vst v0  }
0xa6: {  	v0 =	vld [tilespmem:s4+$0xFFFFFDE0]  }
0xa7: {  	v1 =	vld [tilespmem:s4+$0xFFFFFE60]  }
0xa8: {  	v2 =	vld [tilespmem:s4+$0xFFFFFEE0]  }
0xa9: {  	v3 =	vld [tilespmem:s4+$0xFFFFFF60]  }
0xaa: {  	v4 =	vld [tilespmem:s4+$0xFFFFFFE0];
	_ =	sdelay $0x1  }
0xab: {  	v0 =	vadd.f32 v1, v0;
	_ =	sdelay $0x1  }
0xac: {  	v0 =	vadd.f32 v2, v0;
	_ =	sdelay $0x1  }
0xad: {  	v0 =	vadd.f32 v3, v0;
	_ =	sdelay $0x1  }
0xae: {  	v0 =	vadd.f32 v4, v0;
	_ =	sdelay $0x1  }
0xaf: {  	v0 =	vmul.f32 $2.000000030e-01, v0;
	_ =	sdelay $0x1  }
0xb0: {  	[tilespmem:s5+$0x2CD0] =	vst v0  }
0xb1: {  	v0 =	vld [tilespmem:s4+$0xFFFFFDF0]  }
0xb2: {  	v1 =	vld [tilespmem:s4+$0xFFFFFE70]  }
0xb3: {  	v2 =	vld [tilespmem:s4+$0xFFFFFEF0]  }
0xb4: {  	v3 =	vld [tilespmem:s4+$0xFFFFFF70]  }
0xb5: {  	v4 =	vld [tilespmem:s4+$0xFFFFFFF0];
	_ =	sdelay $0x1  }
0xb6: {  	v0 =	vadd.f32 v1, v0;
	_ =	sdelay $0x1  }
0xb7: {  	v0 =	vadd.f32 v2, v0;
	_ =	sdelay $0x1  }
0xb8: {  	v0 =	vadd.f32 v3, v0;
	_ =	sdelay $0x1  }
0xb9: {  	v0 =	vadd.f32 v4, v0;
	_ =	sdelay $0x1  }
0xba: {  	v0 =	vmul.f32 $2.000000030e-01, v0;
	_ =	sdelay $0x1  }
0xbb: {  	[tilespmem:s5+$0x2CE0] =	vst v0  }
0xbc: {  	v3 =	vld [tilespmem:s4+$0xFFFFFE00]  }
0xbd: {  	v4 =	vld [tilespmem:s4+$0xFFFFFE80]  }
.Ltmp0:
0xbe: {  	v2 =	vld [tilespmem:s4+$0xFFFFFF00];
	(pc) =	sbr.rel @p0 .LBB2_1-.Ltmp0, $3  }
0xbf: {  	v0 =	vld [tilespmem:s4+$0xFFFFFF80]  }
0xc0: {  	v1 =	vld [tilespmem:s4+$0x0];
	_ =	sdelay $0x1  }
0xc1: {  	v3 =	vadd.f32 v4, v3  }
0xc2: {  	_ = 	snop  }
0xc3: {  	v2 =	vadd.f32 v2, v3;
	_ =	sdelay $0x1  }
0xc4: {  	v0 =	vadd.f32 v0, v2;
	_ =	sdelay $0x1  }
0xc5: {  	v0 =	vadd.f32 v1, v0;
	_ =	sdelay $0x1  }
0xc6: {  	v0 =	vmul.f32 $2.000000030e-01, v0  }
0xc7: {  	s4 =	sshll.u32 s2, $0xA  }
0xc8: {  	s24 =	simm.s32 $0x2C80;
	s25 =	simm.s32 $0x4;
	s4 =	sadd.s32 s4, s3;
	[tilespmem:s5+$0x2CF0] =	vst v0  }
0xc9: {  	[spmem:s4] =	stream.linear.scatter [tilespmem:s24], [sflag:$0x4], $0x400, $0x38;
	[tilespmem:$0x7500] =	vst v63  }
0xca: {  	_ =	swait.ge [sflag:s25], $0x400  }
0xcb: {  	[sflag:s25] =	ssyncset.done $0x0  }
0xcc: {  	s26 =	simm.s32 $0x2;
	[sflag:s25] =	ssyncadd.s32 $0xFFFFFC00  }
0xcd: {  	_ =	swait.ge [sflag:s26], $0x400  }
0xce: {  	[sflag:s26] =	ssyncset.done $0x0  }
0xcf: {  	[sflag:s26] =	ssyncadd.s32 $0xFFFFFC00  }
0xd0: {  	_ =	swait.ge [sflag:s26], $0x1400  }
0xd1: {  	[sflag:s26] =	ssyncset.done $0x0  }
0xd2: {  	[sflag:s26] =	ssyncadd.s32 $0xFFFFEC00  }
0xd3: {  	s28 =	simm.s32 $0x3080;
	s29 =	simm.s32 $0x1AF0;
	[bflag:$0x0] =	sbarrier.arrive $0xFFFF  }
0xd4: {  	[tilespmem:s28], [sflag:$0x1] =	stream.linear.gather [spmem:s3], $0x4000, $0x38;
	[tilespmem:$0x7500] =	vst v63  }
0xd5: {  	v0 =	vld [tilespmem:s29+$0xFFFFFFF0]  }
0xd6: {  	v1 =	vld [tilespmem:s29+$0xFFFFFFE0]  }
0xd7: {  	v2 =	vld [tilespmem:s29+$0xFFFFFF00]  }
0xd8: {  	v3 =	vld [tilespmem:s29+$0xFFFFFFD0]  }
0xd9: {  	v4 =	vld [tilespmem:s29+$0xFFFFFEF0]  }
0xda: {  	v5 =	vld [tilespmem:s29+$0xFFFFFE00]  }
0xdb: {  	v6 =	vld [tilespmem:s29+$0xFFFFFE80]  }
0xdc: {  	v7 =	vld [tilespmem:s29+$0xFFFFFFC0]  }
0xdd: {  	v8 =	vld [tilespmem:s29+$0xFFFFFEE0]  }
0xde: {  	v9 =	vld [tilespmem:s29+$0xFFFFFDF0]  }
0xdf: {  	s30 =	simm.s32 $0xC0;
	v10 =	vld [tilespmem:s29+$0xFFFFFE70]  }
0xe0: {  	v11 =	vld [tilespmem:s30+$0xFFFFFFC0]  }
0xe1: {  	v12 =	vld [tilespmem:s29+$0xFFFFFF40]  }
0xe2: {  	v13 =	vld [tilespmem:s29+$0xFFFFFDE0]  }
0xe3: {  	v14 =	vld [tilespmem:s29+$0xFFFFFE60]  }
0xe4: {  	v15 =	vld [tilespmem:s29+$0xFFFFFFA0]  }
0xe5: {  	v16 =	vld [tilespmem:s29+$0xFFFFFDD0]  }
0xe6: {  	v17 =	vld [tilespmem:s29+$0xFFFFFE50]  }
0xe7: {  	v18 =	vld [tilespmem:s29+$0xFFFFFF90]  }
0xe8: {  	v19 =	vld [tilespmem:s29+$0xFFFFFDC0]  }
0xe9: {  	v20 =	vld [tilespmem:s29+$0xFFFFFE40]  }
0xea: {  	v21 =	vld [tilespmem:s29+$0xFFFFFF10]  }
0xeb: {  	v22 =	vld [tilespmem:s29+$0xFFFFFDB0]  }
0xec: {  	v23 =	vld [tilespmem:s29+$0xFFFFFE90]  }
0xed: {  	v24 =	vld [tilespmem:s29+$0xFFFFFD90]  }
0xee: {  	v25 =	vld [tilespmem:s29+$0xFFFFFE10]  }
0xef: {  	v26 =	vld [tilespmem:s29+$0xFFFFFDA0]  }
0xf0: {  	v27 =	vld [tilespmem:s29+$0xFFFFFE20]  }
0xf1: {  	v28 =	vld [tilespmem:s29+$0xFFFFFE30]  }
0xf2: {  	v29 =	vld [tilespmem:s29+$0xFFFFFEA0];
	v9 =	vadd.f32 v10, v9;
	v5 =	vadd.f32 v6, v5  }
0xf3: {  	v6 =	vld [tilespmem:s29+$0xFFFFFEB0];
	v10 =	vadd.f32 v25, v24;
	v13 =	vadd.f32 v14, v13  }
0xf4: {  	v14 =	vld [tilespmem:s29+$0xFFFFFF20];
	v19 =	vadd.f32 v20, v19;
	v16 =	vadd.f32 v17, v16  }
0xf5: {  	v17 =	vld [tilespmem:s29+$0xFFFFFEC0];
	v20 =	vadd.f32 v27, v26;
	v10 =	vadd.f32 v23, v10  }
0xf6: {  	v22 =	vadd.f32 v28, v22;
	v23 =	vld [tilespmem:s29+$0xFFFFFF30];
	v2 =	vadd.f32 v2, v5  }
0xf7: {  	v5 =	vld [tilespmem:s29+$0xFFFFFED0];
	v20 =	vadd.f32 v29, v20;
	v10 =	vadd.f32 v21, v10  }
0xf8: {  	v4 =	vadd.f32 v4, v9;
	v21 =	vld [tilespmem:s29+$0xFFFFFFB0];
	v6 =	vadd.f32 v6, v22  }
0xf9: {  	v9 =	vld [tilespmem:s29+$0xFFFFFF50];
	v14 =	vadd.f32 v14, v20;
	v10 =	vadd.f32 v18, v10  }
0xfa: {  	v8 =	vadd.f32 v8, v13;
	v17 =	vadd.f32 v17, v19;
	v18 =	vld [tilespmem:s30+$0xFFFFFFD0]  }
0xfb: {  	v13 =	vld [tilespmem:s29+$0xFFFFFF60];
	v14 =	vadd.f32 v15, v14;
	v6 =	vadd.f32 v23, v6;
	v10 =	vmul.f32 $2.000000030e-01, v10  }
0xfc: {  	v15 =	vld [tilespmem:s30+$0xFFFFFFE0];
	v12 =	vadd.f32 v12, v17;
	v5 =	vadd.f32 v5, v16  }
0xfd: {  	v16 =	vld [tilespmem:s29+$0xFFFFFF70];
	v6 =	vadd.f32 v21, v6;
	v10 =	vmul.f32 v10, v11;
	v11 =	vmul.f32 $2.000000030e-01, v14  }
0xfe: {  	v7 =	vadd.f32 v7, v12;
	v5 =	vadd.f32 v9, v5;
	v14 =	vld [tilespmem:s30+$0xFFFFFFF0]  }
0xff: {  	v9 =	vld [tilespmem:s29+$0xFFFFFF80];
	v6 =	vmul.f32 $2.000000030e-01, v6;
	v10 =	vadd.f32 $0.0e+00, v10;
	v11 =	vmul.f32 v11, v18  }
0x100: {  	v12 =	vld [tilespmem:s30+$0x0];
	v3 =	vadd.f32 v3, v5;
	v5 =	vadd.f32 v13, v8  }
0x101: {  	v8 =	vld [tilespmem:s29+$0x0];
	v7 =	vmul.f32 $2.000000030e-01, v7;
	v6 =	vmul.f32 v6, v15;
	v10 =	vadd.f32 v11, v10  }
0x102: {  	v4 =	vadd.f32 v16, v4;
	v1 =	vadd.f32 v1, v5;
	v11 =	vld [tilespmem:s30+$0x10]  }
0x103: {  	s3 =	simm.s32 $0x1D70;
	v13 =	vld [tilespmem:s30+$0x20];
	v3 =	vmul.f32 $2.000000030e-01, v3;
	v7 =	vmul.f32 v7, v14;
	v6 =	vadd.f32 v6, v10  }
0x104: {  	v30 =	vld [tilespmem:s3+$0xFFFFFE90];
	v4 =	vadd.f32 v0, v4;
	v2 =	vadd.f32 v9, v2  }
0x105: {  	v5 =	vld [tilespmem:s30+$0x30];
	v1 =	vmul.f32 $2.000000030e-01, v1;
	v6 =	vadd.f32 v7, v6;
	v7 =	vmul.f32 v3, v12  }
0x106: {  	v31 =	vld [tilespmem:s3+$0xFFFFFD90];
	v2 =	vadd.f32 v8, v2;
	v4 =	vmul.f32 $2.000000030e-01, v4  }
0x107: {  	v24 =	vld [tilespmem:s3+$0xFFFFFDD0];
	v9 =	vimm.s32 $0xEFCDAB89;
	v1 =	vmul.f32 v1, v11;
	v6 =	vadd.f32 v7, v6  }
0x108: {  	v25 =	vld [tilespmem:s3+$0xFFFFFE50];
	v12 =	vimm.s32 $0x67452301;
	v4 =	vmul.f32 v4, v13;
	v2 =	vmul.f32 $2.000000030e-01, v2  }
0x109: {  	v27 =	vld [tilespmem:s3+$0xFFFFFDC0];
	v7 =	vunpack.c.l.s4.s8 v9;
	v9 =	vunpack.c.l.s4.s8 v12;
	v1 =	vadd.f32 v1, v6  }
0x10a: {  	v26 =	vld [tilespmem:s3+$0xFFFFFF10];
	v12 =	vimm.s32 $0xDCFE98BA;
	v2 =	vmul.f32 v2, v5  }
0x10b: {  	v28 =	vld [tilespmem:s3+$0xFFFFFDB0];
	v6 =	vunpack.c.0.s8.s32 v7;
	v7 =	vunpack.c.0.s8.s32 v9;
	v4 =	vadd.f32 v4, v1  }
0x10c: {  	v29 =	vld [tilespmem:s3+$0xFFFFFE40];
	v13 =	vimm.s32 $0x54761032;
	v5 =	vunpack.c.l.s4.s8 v12  }
0x10d: {  	v19 =	vld [tilespmem:s3+$0xFFFFFE70];
	v1 =	vcombine.low v7, v6;
	v6 =	vunpack.c.l.s4.s8 v13;
	v4 =	vadd.f32 v2, v4  }
0x10e: {  	v22 =	vld [tilespmem:s3+$0xFFFFFDE0];
	v2 =	vunpack.c.0.s8.s32 v5  }
0x10f: {  	v17 =	vld [tilespmem:s3+$0xFFFFFE80];
	v5 =	vunpack.c.0.s8.s32 v6;
	v6 =	vimm.s32 $0xBA98FEDC;
	v7 =	vperm.xlane v4, v1  }
0x110: {  	v23 =	vld [tilespmem:s3+$0xFFFFFE60];
	v15 =	vimm.s32 $0x32107654;
	v6 =	vunpack.c.l.s4.s8 v6  }
0x111: {  	v16 =	vld [tilespmem:s3+$0xFFFFFE00];
	v2 =	vcombine.low v5, v2;
	v5 =	vunpack.c.l.s4.s8 v15;
	v7 =	vadd.f32 v7, v4  }
0x112: {  	v18 =	vld [tilespmem:s3+$0xFFFFFDF0];
	v4 =	vunpack.c.0.s8.s32 v6  }
0x113: {  	v0 =	vld [tilespmem:s3+$0xFFFFFFF0];
	v5 =	vunpack.c.0.s8.s32 v5;
	v6 =	vimm.s32 $0xFEDCBA98;
	v20 =	vperm.xlane v7, v2  }
0x114: {  	v21 =	vimm.s32 $0x76543210;
	v14 =	vld [tilespmem:s3+$0xFFFFFF40];
	v6 =	vunpack.c.l.s4.s8 v6  }
0x115: {  	v10 =	vld [tilespmem:s3+$0xFFFFFF00];
	v4 =	vcombine.low v5, v4;
	v5 =	vunpack.c.l.s4.s8 v21;
	v7 =	vadd.f32 v20, v7  }
0x116: {  	v8 =	vld [tilespmem:s3+$0xFFFFFFD0];
	v6 =	vunpack.c.0.s8.s32 v6  }
0x117: {  	v3 =	vld [tilespmem:s3+$0xFFFFFFE0];
	v5 =	vunpack.c.0.s8.s32 v5;
	v21 =	vperm.xlane v7, v4  }
0x118: {  	v11 =	vld [tilespmem:s3+$0xFFFFFEF0];
	v6 =	vand.u32 $0xF, v6  }
0x119: {  	v12 =	vld [tilespmem:s3+$0xFFFFFEE0];
	v5 =	vcombine.low v6, v5;
	v21 =	vadd.f32 v21, v7  }
0x11a: {  	s4 =	simm.s32 $0x140;
	v9 =	vld [tilespmem:s3+$0xFFFFFFC0]  }
0x11b: {  	v13 =	vld [tilespmem:s4+$0xFFFFFFC0];
	v32 =	vperm.xlane v21, v5  }
0x11c: {  	s31 =	simm.s32 $0x8;
	v15 =	vld [tilespmem:s3+$0xFFFFFFA0]  }
0x11d: {  	v33 =	vmov s31;
	v20 =	vld [tilespmem:s3+$0xFFFFFF90];
	v6 =	vlaneseq.u32;
	v21 =	vadd.f32 v32, v21  }
0x11e: {  	s6 =	simm.s32 $0xA;
	s5 =	simm.s32 $0x9;
	vm0 =	veq.s32 v33, v6;
	v7 =	vimm.f32 $0.0e+00;
	v32 =	vld [tilespmem:s3+$0xFFFFFE10]  }
.LBB2_3:
0x11f: {  	p0 =	sne.s32 s6, $0xF;
	v33 =	vld [tilespmem:s3+$0xFFFFFDA0];
	v7 =	vsel vm0, v21, v7  }
0x120: {  	v21 =	vld [tilespmem:s3+$0xFFFFFE20]  }
0x121: {  	v34 =	vld [tilespmem:s3+$0xFFFFFE30]  }
0x122: {  	v18 =	vadd.f32 v19, v18;
	v16 =	vadd.f32 v17, v16;
	v35 =	vld [tilespmem:s3+$0xFFFFFEA0]  }
0x123: {  	v22 =	vadd.f32 v23, v22;
	v17 =	vadd.f32 v32, v31;
	v19 =	vld [tilespmem:s3+$0xFFFFFEB0]  }
0x124: {  	v27 =	vadd.f32 v29, v27;
	v24 =	vadd.f32 v25, v24;
	v23 =	vld [tilespmem:s3+$0xFFFFFF20]  }
0x125: {  	v17 =	vadd.f32 v30, v17;
	v21 =	vadd.f32 v21, v33;
	v25 =	vld [tilespmem:s3+$0xFFFFFEC0]  }
0x126: {  	v10 =	vadd.f32 v10, v16;
	v28 =	vadd.f32 v34, v28;
	v29 =	vld [tilespmem:s3+$0xFFFFFF30]  }
0x127: {  	v16 =	vadd.f32 v26, v17;
	v17 =	vadd.f32 v35, v21;
	v21 =	vld [tilespmem:s3+$0xFFFFFED0]  }
0x128: {  	v11 =	vadd.f32 v11, v18;
	v19 =	vadd.f32 v19, v28;
	v26 =	vld [tilespmem:s3+$0xFFFFFFB0]  }
0x129: {  	v16 =	vadd.f32 v20, v16;
	v17 =	vadd.f32 v23, v17;
	v18 =	vld [tilespmem:s3+$0xFFFFFF50]  }
0x12a: {  	v12 =	vadd.f32 v12, v22;
	v20 =	vld [tilespmem:s4+$0xFFFFFFD0];
	v23 =	vadd.f32 v25, v27  }
0x12b: {  	v16 =	vmul.f32 $2.000000030e-01, v16;
	v15 =	vadd.f32 v15, v17;
	v17 =	vadd.f32 v29, v19;
	v19 =	vld [tilespmem:s3+$0xFFFFFF60]  }
0x12c: {  	v22 =	vld [tilespmem:s4+$0xFFFFFFE0];
	v14 =	vadd.f32 v14, v23;
	v21 =	vadd.f32 v21, v24  }
0x12d: {  	v13 =	vmul.f32 v16, v13;
	v15 =	vmul.f32 $2.000000030e-01, v15;
	v16 =	vadd.f32 v26, v17;
	v17 =	vld [tilespmem:s3+$0xFFFFFF70]  }
0x12e: {  	v9 =	vadd.f32 v9, v14;
	v14 =	vld [tilespmem:s4+$0xFFFFFFF0];
	v18 =	vadd.f32 v18, v21  }
0x12f: {  	v13 =	vadd.f32 $0.0e+00, v13;
	v15 =	vmul.f32 v15, v20;
	v16 =	vmul.f32 $2.000000030e-01, v16;
	v20 =	vld [tilespmem:s3+$0xFFFFFF80]  }
0x130: {  	v8 =	vadd.f32 v8, v18;
	v18 =	vld [tilespmem:s4+$0x0];
	v12 =	vadd.f32 v19, v12  }
0x131: {  	v9 =	vmul.f32 $2.000000030e-01, v9;
	v13 =	vadd.f32 v15, v13;
	v15 =	vmul.f32 v16, v22;
	v16 =	vld [tilespmem:s3+$0x0]  }
0x132: {  	v3 =	vadd.f32 v3, v12;
	v12 =	vld [tilespmem:s4+$0x10];
	v11 =	vadd.f32 v17, v11  }
0x133: {  	v8 =	vmul.f32 $2.000000030e-01, v8;
	v13 =	vadd.f32 v15, v13;
	v9 =	vmul.f32 v9, v14;
	v14 =	vld [tilespmem:s4+$0x30]  }
0x134: {  	s3 =	sadd.s32 $0x280, s3;
	v11 =	vadd.f32 v0, v11;
	v15 =	vld [tilespmem:s4+$0x20];
	v10 =	vadd.f32 v20, v10  }
0x135: {  	v0 =	vld [tilespmem:s3+$0xFFFFFFF0];
	v9 =	vadd.f32 v9, v13;
	v8 =	vmul.f32 v8, v18;
	v13 =	vmul.f32 $2.000000030e-01, v3  }
0x136: {  	v3 =	vld [tilespmem:s3+$0xFFFFFFE0];
	v16 =	vadd.f32 v16, v10  }
0x137: {  	v10 =	vld [tilespmem:s3+$0xFFFFFF00];
	v9 =	vadd.f32 v8, v9;
	v12 =	vmul.f32 v13, v12;
	v13 =	vmul.f32 $2.000000030e-01, v11  }
0x138: {  	v8 =	vld [tilespmem:s3+$0xFFFFFFD0]  }
0x139: {  	v11 =	vld [tilespmem:s3+$0xFFFFFEF0];
	v9 =	vadd.f32 v12, v9;
	v12 =	vmul.f32 v13, v15;
	v13 =	vmul.f32 $2.000000030e-01, v16  }
0x13a: {  	v16 =	vld [tilespmem:s3+$0xFFFFFE00]  }
0x13b: {  	v17 =	vld [tilespmem:s3+$0xFFFFFE80];
	v15 =	vadd.f32 v12, v9;
	v13 =	vmul.f32 v13, v14  }
0x13c: {  	v9 =	vld [tilespmem:s3+$0xFFFFFFC0]  }
0x13d: {  	v12 =	vld [tilespmem:s3+$0xFFFFFEE0];
	v15 =	vadd.f32 v13, v15  }
0x13e: {  	v18 =	vld [tilespmem:s3+$0xFFFFFDF0]  }
0x13f: {  	s4 =	sadd.s32 $0x80, s4;
	v19 =	vld [tilespmem:s3+$0xFFFFFE70];
	v20 =	vperm.xlane v15, v1  }
0x140: {  	v13 =	vld [tilespmem:s4+$0xFFFFFFC0]  }
0x141: {  	v14 =	vld [tilespmem:s3+$0xFFFFFF40];
	v20 =	vadd.f32 v20, v15  }
0x142: {  	v22 =	vld [tilespmem:s3+$0xFFFFFDE0]  }
0x143: {  	v23 =	vld [tilespmem:s3+$0xFFFFFE60];
	v21 =	vperm.xlane v20, v2  }
0x144: {  	v15 =	vld [tilespmem:s3+$0xFFFFFFA0]  }
0x145: {  	v24 =	vld [tilespmem:s3+$0xFFFFFDD0];
	v21 =	vadd.f32 v21, v20  }
0x146: {  	v25 =	vld [tilespmem:s3+$0xFFFFFE50]  }
0x147: {  	v20 =	vld [tilespmem:s3+$0xFFFFFF90];
	v26 =	vperm.xlane v21, v4  }
0x148: {  	v27 =	vld [tilespmem:s3+$0xFFFFFDC0]  }
0x149: {  	v29 =	vld [tilespmem:s3+$0xFFFFFE40];
	v21 =	vadd.f32 v26, v21  }
.Ltmp1:
0x14a: {  	v26 =	vld [tilespmem:s3+$0xFFFFFF10];
	(pc) =	sbr.rel @p0 .LBB2_3-.Ltmp1, $4  }
0x14b: {  	v28 =	vld [tilespmem:s3+$0xFFFFFDB0];
	v32 =	vperm.xlane v21, v5  }
0x14c: {  	v30 =	vld [tilespmem:s3+$0xFFFFFE90]  }
0x14d: {  	v33 =	vmov s5;
	s5 =	smov.u32 s6;
	v31 =	vld [tilespmem:s3+$0xFFFFFD90];
	v21 =	vadd.f32 v32, v21  }
0x14e: {  	s6 =	sadd.s32 $0x1, s6;
	vm0 =	veq.s32 v33, v6;
	v32 =	vld [tilespmem:s3+$0xFFFFFE10]  }
0x14f: {  	v33 =	vld [tilespmem:s3+$0xFFFFFDA0]  }
0x150: {  	v34 =	vld [tilespmem:s3+$0xFFFFFE20]  }
0x151: {  	v35 =	vld [tilespmem:s3+$0xFFFFFE30]  }
0x152: {  	v18 =	vadd.f32 v19, v18;
	v16 =	vadd.f32 v17, v16;
	v63 =	vld [tilespmem:s3+$0xFFFFFEA0]  }
0x153: {  	v37 =	vld [tilespmem:s3+$0xFFFFFEB0];
	v22 =	vadd.f32 v23, v22;
	v36 =	vadd.f32 v32, v31  }
0x154: {  	v38 =	vld [tilespmem:s3+$0xFFFFFF20];
	v27 =	vadd.f32 v29, v27;
	v24 =	vadd.f32 v25, v24  }
0x155: {  	v40 =	vld [tilespmem:s3+$0xFFFFFEC0];
	v39 =	vadd.f32 v34, v33;
	v19 =	vadd.f32 v30, v36  }
0x156: {  	v41 =	vld [tilespmem:s3+$0xFFFFFF30];
	v10 =	vadd.f32 v10, v16;
	v28 =	vadd.f32 v35, v28  }
0x157: {  	v43 =	vld [tilespmem:s3+$0xFFFFFED0];
	v17 =	vadd.f32 v63, v39;
	v42 =	vadd.f32 v26, v19  }
0x158: {  	v45 =	vld [tilespmem:s3+$0xFFFFFFB0];
	v11 =	vadd.f32 v11, v18;
	v44 =	vadd.f32 v37, v28  }
0x159: {  	v46 =	vld [tilespmem:s3+$0xFFFFFF50];
	v17 =	vadd.f32 v38, v17;
	v16 =	vadd.f32 v20, v42  }
0x15a: {  	v47 =	vld [tilespmem:s4+$0xFFFFFFD0];
	v12 =	vadd.f32 v12, v22;
	v48 =	vadd.f32 v40, v27  }
0x15b: {  	v50 =	vld [tilespmem:s3+$0xFFFFFF60];
	v49 =	vadd.f32 v41, v44;
	v15 =	vadd.f32 v15, v17;
	v16 =	vmul.f32 $2.000000030e-01, v16  }
0x15c: {  	v51 =	vld [tilespmem:s4+$0xFFFFFFE0];
	v14 =	vadd.f32 v14, v48;
	v19 =	vadd.f32 v43, v24  }
0x15d: {  	v53 =	vld [tilespmem:s3+$0xFFFFFF70];
	v52 =	vadd.f32 v45, v49;
	v15 =	vmul.f32 $2.000000030e-01, v15;
	v13 =	vmul.f32 v16, v13  }
0x15e: {  	v54 =	vld [tilespmem:s4+$0xFFFFFFF0];
	v9 =	vadd.f32 v9, v14;
	v18 =	vadd.f32 v46, v19  }
0x15f: {  	v55 =	vld [tilespmem:s3+$0xFFFFFF80];
	v16 =	vmul.f32 $2.000000030e-01, v52;
	v15 =	vmul.f32 v15, v47;
	v13 =	vadd.f32 $0.0e+00, v13  }
0x160: {  	v56 =	vld [tilespmem:s4+$0x0];
	v12 =	vadd.f32 v50, v12;
	v9 =	vmul.f32 $2.000000030e-01, v9  }
0x161: {  	v58 =	vld [tilespmem:s3+$0x0];
	v8 =	vadd.f32 v8, v18;
	v57 =	vmul.f32 v16, v51;
	v13 =	vadd.f32 v15, v13  }
0x162: {  	v59 =	vld [tilespmem:s4+$0x10];
	v11 =	vadd.f32 v53, v11;
	v3 =	vadd.f32 v3, v12  }
0x163: {  	v9 =	vmul.f32 v9, v54;
	v8 =	vmul.f32 $2.000000030e-01, v8;
	v13 =	vadd.f32 v57, v13  }
0x164: {  	v60 =	vld [tilespmem:s4+$0x20];
	v10 =	vadd.f32 v55, v10;
	v0 =	vadd.f32 v0, v11  }
0x165: {  	v3 =	vmul.f32 $2.000000030e-01, v3;
	v8 =	vmul.f32 v8, v56;
	v9 =	vadd.f32 v9, v13  }
0x166: {  	v61 =	vld [tilespmem:s4+$0x30];
	v10 =	vadd.f32 v58, v10  }
0x167: {  	v0 =	vmul.f32 $2.000000030e-01, v0;
	v3 =	vmul.f32 v3, v59;
	v8 =	vadd.f32 v8, v9;
	_ =	sdelay $0x1  }
0x168: {  	v0 =	vmul.f32 v0, v60;
	v3 =	vadd.f32 v3, v8;
	v8 =	vmul.f32 $2.000000030e-01, v10;
	_ =	sdelay $0x1  }
0x169: {  	v0 =	vadd.f32 v0, v3;
	v3 =	vmul.f32 v8, v61;
	_ =	sdelay $0x1  }
0x16a: {  	v0 =	vadd.f32 v3, v0;
	_ =	sdelay $0x1  }
0x16b: {  	v1 =	vperm.xlane v0, v1;
	_ =	sdelay $0x1  }
0x16c: {  	v0 =	vadd.f32 v1, v0;
	_ =	sdelay $0x1  }
0x16d: {  	v1 =	vperm.xlane v0, v2;
	_ =	sdelay $0x1  }
0x16e: {  	v62 =	vimm.s32 $0x32107654;
	v0 =	vadd.f32 v1, v0  }
0x16f: {  	v9 =	vunpack.c.l.s4.s8 v62  }
0x170: {  	v63 =	vimm.s32 $0x76543210;
	v1 =	vperm.xlane v0, v4  }
0x171: {  	v10 =	vunpack.c.l.s4.s8 v63;
	v9 =	vunpack.c.0.s8.s32 v9;
	v8 =	vimm.s32 $0xFEDCBA98  }
0x172: {  	v8 =	vunpack.c.l.s4.s8 v8;
	v3 =	vmov s5;
	v0 =	vadd.f32 v1, v0  }
0x173: {  	v10 =	vunpack.c.0.s8.s32 v10;
	vm15 =	veq.s32 v3, v6;
	v6 =	vimm.s32 $0x54761032  }
0x174: {  	v8 =	vunpack.c.0.s8.s32 v8;
	v6 =	vunpack.c.l.s4.s8 v6;
	v1 =	vperm.xlane v0, v5  }
0x175: {  	v2 =	vsel vm0, v21, v7;
	v7 =	vimm.s32 $0xBA98FEDC;
	v4 =	vimm.s32 $0x67452301  }
0x176: {  	v5 =	vimm.s32 $0xDCFE98BA;
	v0 =	vadd.f32 v1, v0;
	v1 =	vimm.s32 $0xEFCDAB89  }
0x177: {  	v4 =	vunpack.c.l.s4.s8 v4;
	v5 =	vunpack.c.l.s4.s8 v5;
	v3 =	vunpack.c.l.s4.s8 v1  }
0x178: {  	v8 =	vand.u32 $0xF, v8;
	v6 =	vunpack.c.0.s8.s32 v6;
	v7 =	vunpack.c.l.s4.s8 v7  }
0x179: {  	s31 =	simm.s32 $0x1;
	v4 =	vunpack.c.0.s8.s32 v4;
	v5 =	vunpack.c.0.s8.s32 v5;
	v3 =	vunpack.c.0.s8.s32 v3  }
0x17a: {  	s3 =	sshll.u32 s2, $0x3;
	_ =	swait.ge [sflag:s31], $0x4000;
	v7 =	vunpack.c.0.s8.s32 v7;
	v1 =	vimm.f32 $0.0e+00;
	v0 =	vsel vm15, v0, v2  }
0x17b: {  	s4 =	simm.s32 $0x0;
	s6 =	simm.s32 $0x3080;
	[sflag:s31] =	ssyncset.done $0x0;
	v2 =	vlaneseq.u32;
	v3 =	vcombine.low v4, v3;
	v4 =	vcombine.low v6, v5  }
0x17c: {  	s7 =	simm.s32 $0x0;
	[sflag:s31] =	ssyncadd.s32 $0xFFFFC000;
	s5 =	simm.s32 $0x80;
	v5 =	vmul.u32 $0x80, v2;
	v6 =	vcombine.low v9, v7;
	v7 =	vcombine.low v8, v10  }
.LBB2_5:
0x17d: {  	v8 =	vmov s4  }
0x17e: {  	s8 =	sadd.s32 s3, s7;
	v9 =	vshll.u32 v8, $0x7  }
0x17f: {  	v8 =	vmov s8;
	v9 =	vor.u32 v5, v9  }
0x180: {  	v9 =	vadd.s32 v8, v9  }
0x181: {  	s31 =	simm.s32 $0x10  }
0x182: {  	v10 =	vmov s31  }
0x183: {  	v10 =	vshll.u32 v10, $0x7  }
0x184: {  	v12 =	vld [tilespmem:s5+$0x0];
	v10 =	vor.u32 v5, v10  }
0x185: {  	v11 =	vadd.s32 v8, v10;
	v9 =	vld.idx.msk [tilespmem:v9+s6+$0x0], $0xffff  }
0x186: {  	s9 =	smov.u32 s5;
	s8 =	simm.s32 $0x20;
	v10 =	vimm.f32 $0.0e+00  }
.LBB2_6:
0x187: {  	p0 =	sne.s32 s8, $0x70  }
.Ltmp2:
0x188: {  	v13 =	vmov s8;
	s8 =	sadd.s32 $0x10, s8;
	(pc) =	sbr.rel @p0 .LBB2_6-.Ltmp2, $4  }
0x189: {  	v13 =	vshll.u32 v13, $0x7  }
0x18a: {  	s9 =	sadd.s32 $0x10, s9;
	v13 =	vor.u32 v5, v13;
	v14 =	vmul.f32 v12, v9;
	v9 =	vld.idx.msk [tilespmem:v11+s6+$0x0], $0xffff  }
0x18b: {  	v11 =	vadd.s32 v8, v13;
	v12 =	vld [tilespmem:s9+$0x0]  }
0x18c: {  	v10 =	vadd.f32 v14, v10  }
0x18d: {  	_ =	sdelay $0x3  }
0x18e: {  	v8 =	vld.idx.msk [tilespmem:v11+s6+$0x0], $0xffff;
	s8 =	sadd.s32 $0x10, s9  }
0x18f: {  	v62 =	vld [tilespmem:s8+$0x0];
	_ =	sdelay $0x2  }
0x190: {  	v9 =	vmul.f32 v12, v9;
	_ =	sdelay $0x1  }
0x191: {  	v9 =	vadd.f32 v9, v10;
	v8 =	vmul.f32 v62, v8;
	_ =	sdelay $0x1  }
0x192: {  	v8 =	vadd.f32 v8, v9;
	_ =	sdelay $0x1  }
0x193: {  	v9 =	vperm.xlane v8, v3;
	_ =	sdelay $0x1  }
0x194: {  	v8 =	vadd.f32 v9, v8;
	_ =	sdelay $0x1  }
0x195: {  	v9 =	vperm.xlane v8, v4;
	_ =	sdelay $0x1  }
0x196: {  	v8 =	vadd.f32 v9, v8;
	_ =	sdelay $0x1  }
0x197: {  	v9 =	vperm.xlane v8, v6;
	_ =	sdelay $0x1  }
0x198: {  	v8 =	vadd.f32 v9, v8;
	_ =	sdelay $0x1  }
0x199: {  	v63 =	vmov s7;
	s7 =	sadd.s32 $0x1, s7;
	v9 =	vperm.xlane v8, v7  }
0x19a: {  	p0 =	sne.s32 s7, $0x8  }
.Ltmp3:
0x19b: {  	v8 =	vadd.f32 v9, v8;
	(pc) =	sbr.rel @p0 .LBB2_5-.Ltmp3, $4  }
0x19c: {  	_ = 	snop  }
0x19d: {  	v8 =	vsub.f32 $0.0e+00, v8  }
0x19e: {  	vm0 =	veq.s32 v63, v2  }
0x19f: {  	s5 =	sadd.s32 $0x80, s5;
	v1 =	vsel vm0, v8, v1  }
0x1a0: {  	v0 =	vadd.f32 v1, v0;
	_ =	sdelay $0x1  }
0x1a1: {  	v1 =	vand.u32 $0x7FFFFFFF, v0  }
0x1a2: {  	v1 =	vsub.f32 $0.0e+00, v1;
	_ =	sdelay $0x1  }
0x1a3: {  	v1 =	vmul.f32 $1.442695020e+00, v1;
	_ =	sdelay $0x1  }
0x1a4: {  	(erf) = vpow2.f32 v1;
	_ =	sdelay $0x8  }
0x1a5: {  	v1 =	vpop (erf)  }
0x1a6: {  	v2 =	vadd.f32 $2.000000000e+00, v1;
	_ =	sdelay $0x1  }
0x1a7: {  	(erf) = vrcp.f32 v2;
	_ =	sdelay $0x8  }
0x1a8: {  	v2 =	vpop (erf)  }
0x1a9: {  	v1 =	vmul.f32 v2, v1;
	_ =	sdelay $0x1  }
0x1aa: {  	v2 =	vmul.f32 v1, v1;
	_ =	sdelay $0x1  }
0x1ab: {  	v3 =	vmul.f32 $1.428571490e-01, v2;
	_ =	sdelay $0x1  }
0x1ac: {  	v3 =	vadd.f32 $2.000000030e-01, v3;
	_ =	sdelay $0x1  }
0x1ad: {  	v3 =	vmul.f32 v3, v2;
	_ =	sdelay $0x1  }
0x1ae: {  	v3 =	vadd.f32 $3.333333430e-01, v3;
	_ =	sdelay $0x1  }
0x1af: {  	v4 =	vimm.s32 $0x67452301;
	v2 =	vmul.f32 v3, v2  }
0x1b0: {  	v50 =	vimm.s32 $0xEFCDAB89;
	v4 =	vunpack.c.l.s4.s8 v4  }
0x1b1: {  	v1 =	vadd.f32 v1, v1;
	v3 =	vunpack.c.l.s4.s8 v50;
	v2 =	vadd.f32 $1.000000000e+00, v2  }
0x1b2: {  	v54 =	vimm.s32 $0xDCFE98BA;
	v55 =	vimm.s32 $0x54761032  }
0x1b3: {  	v52 =	vunpack.c.0.s8.s32 v4;
	v51 =	vunpack.c.0.s8.s32 v3;
	v1 =	vmul.f32 v2, v1  }
0x1b4: {  	v0 =	vmax.f32 v0, $0.0e+00;
	v3 =	vunpack.c.l.s4.s8 v55;
	v2 =	vunpack.c.l.s4.s8 v54  }
0x1b5: {  	v53 =	vcombine.low v52, v51;
	v0 =	vadd.f32 v1, v0  }
0x1b6: {  	v3 =	vunpack.c.0.s8.s32 v3;
	v2 =	vunpack.c.0.s8.s32 v2  }
0x1b7: {  	v1 =	vperm.xlane v0, v53  }
0x1b8: {  	v57 =	vimm.s32 $0xBA98FEDC;
	v58 =	vimm.s32 $0x32107654;
	v56 =	vcombine.low v3, v2  }
0x1b9: {  	v2 =	vunpack.c.l.s4.s8 v57;
	v3 =	vunpack.c.l.s4.s8 v58;
	v0 =	vadd.f32 v1, v0  }
0x1ba: {  	v59 =	vimm.s32 $0xFEDCBA98  }
0x1bb: {  	v2 =	vunpack.c.0.s8.s32 v2;
	v3 =	vunpack.c.0.s8.s32 v3;
	v1 =	vperm.xlane v0, v56  }
0x1bc: {  	v5 =	vimm.s32 $0x76543210;
	v4 =	vunpack.c.l.s4.s8 v59  }
0x1bd: {  	v61 =	vunpack.c.l.s4.s8 v5;
	v60 =	vcombine.low v3, v2;
	v0 =	vadd.f32 v1, v0  }
0x1be: {  	v62 =	vunpack.c.0.s8.s32 v4  }
0x1bf: {  	v2 =	vunpack.c.0.s8.s32 v61;
	v1 =	vperm.xlane v0, v60  }
0x1c0: {  	v3 =	vand.u32 $0xF, v62  }
0x1c1: {  	v63 =	vcombine.low v3, v2;
	v0 =	vadd.f32 v1, v0;
	_ =	sdelay $0x1  }
0x1c2: {  	v1 =	vperm.xlane v0, v63;
	_ =	sdelay $0x1  }
0x1c3: {  	v0 =	vadd.f32 v1, v0  }
0x1c4: {  	[bflag:$0x0] =	sbarrier.arrive $0xFFFF  }
0x1c5: {  	(v2sf) =	vpush v0, $0x0;
	_ =	sdelay $0xe  }
0x1c6: {  	s3 =	spop (v2sf)  }
0x1c7: {  	s3 =	smul.f32 $1.048576000e+06, s3;
	_ =	sdelay $0x1  }
0x1c8: {  	s3 =	sadd.f32 $5.000000000e-01, s3;
	_ =	sdelay $0x1  }
0x1c9: {  	s4 =	simm.s32 $0x3;
	s3 =	scvt.f32.s32 s3  }
0x1ca: {  	s5 =	simm.s32 $0x0;
	[sflag:s4] =	ssyncset.done $0x0  }
0x1cb: {  	[smem:s5], [sflag:$0x3] =	smem.add.s32 s3  }
0x1cc: {  	_ =	swait.done [sflag:s4]  }
0x1cd: {  	[sflag:s4] =	ssyncset.s32 $0x0  }
0x1ce: {  	[sflag:s4] =	ssyncset.done $0x0  }
0x1cf: {  	p0 =	sne.s32 s2, $0x0;
	[bflag:$0x0] =	sbarrier.arrive $0xFFFF  }
0x1d0: {  	_ =	sfence.sel @p0 $0x180000  }
0x1d1: {  	[bflag:$0x0] =	sbarrier.arrive @p0 $0xFFFF  }
0x1d2: {  	_ =	strace @p0 $0x90000047  }
0x1d3: {  	[bflag:$0x2] =	sbarrier.arrive @p0 $0xFFFF  }
0x1d4: {  	s2 =	sld @!p0 [smem:$0x0];
	_ =	sdelay $0x2  }
0x1d5: {  	s2 =	scvt.s32.f32 @!p0 s2;
	_ =	sdelay $0x1  }
0x1d6: {  	s2 =	smul.f32 @!p0 $7.450580600e-09, s2;
	_ =	sdelay $0x1  }
0x1d7: {  	v0 =	vmov @!p0 s2  }
0x1d8: {  	s3 =	simm.s32 @!p0 $0x7080;
	s2 =	simm.s32 @!p0 $0x0;
	[tilespmem:$0x7080] =	vst @!p0 v0  }
0x1d9: {  	[hbm4b:s1+s2] =	stream.linear.scatter @!p0 [tilespmem:s3], [sflag:$0x4], $0x80, $0x38;
	[tilespmem:$0x7500] =	vst v63  }
0x1da: {  	s1 =	simm.s32 @!p0 $0x4  }
0x1db: {  	_ =	swait.ge @!p0 [sflag:s1], $0x80  }
0x1dc: {  	[sflag:s1] =	ssyncset.done @!p0 $0x0  }
0x1dd: {  	[sflag:s1] =	ssyncadd.s32 @!p0 $0xFFFFFF80  }
0x1de: {  	_ =	sfence.sel @!p0 $0x180000  }
0x1df: {  	[bflag:$0x0] =	sbarrier.arrive @!p0 $0xFFFF  }
0x1e0: {  	_ =	strace @!p0 $0x90000047  }
0x1e1: {  	s0 =	sadd.s32 @!p0 $0x100000, s0;
	[bflag:$0x2] =	sbarrier.arrive @!p0 $0xFFFF  }
0x1e2: {  	[sflag:s0] =	ssyncadd.tile.s32 @!p0 $0x1;
	_ =	shalt  }
.Lfunc_end2:
_tile_overlayer_lowered:
.L_overlay_start_2:
0x1e3: {  	(tag) =	ssettag $0x2  }
0x1e4: {  	s0 =	rddreg [dreg:$0x0];
	s2 =	stileid.u32  }
0x1e5: {  	s1 =	rddreg [dreg:$0x1];
	p0 =	sne.s32 s2, $0x0  }
0x1e6: {  	s3 =	rddreg [dreg:$0x2];
	[bflag:$0x3] =	sbarrier.arrive $0xFFFF;
	s2 =	simm.s32 @!p0 $0x1C03  }
0x1e7: {  	[timem:s3], [sflag:s2] =	dma.local @!p0 [hbm:s0], s1  }
0x1e8: {  	s0 =	simm.s32 @!p0 $0x3  }
0x1e9: {  	_ =	swait.ge @!p0 [sflag:s0], s1  }
0x1ea: {  	s1 =	ssub.s32 @!p0 $0x0, s1;
	[sflag:s0] =	ssyncset.done @!p0 $0x0  }
0x1eb: {  	[sflag:s0] =	ssyncadd.s32 @!p0 s1  }
0x1ec: {  	[bflag:$0x3] =	sbarrier.arrive $0xFFFF  }
0x1ed: {  	_ =	shalt  }

</sc_bundles>
